<compile_context>
chip_gen: v7x
topology: tpu7x:2x2x1
jax: 0.10.2.dev20260603
libtpu: 0.0.44.dev20260713+nightly
codegen_flags: <defaults>
</compile_context>

<pallas_src>
import functools

import jax
import jax.numpy as jnp
from jax import lax
from jax.experimental import pallas as pl
from jax.experimental.pallas import tpu as pltpu
from jax.experimental.pallas import tpu_sc as plsc

BATCH = 4096
HIST = 50
EMBED = 64
NC = 2
NS = 16
NW = NC * NS
B = BATCH * HIST
BPW = B // NW
CHUNK = 128
K = 5
ROWS_R = K * CHUNK
ROUNDS = BPW // ROWS_R


def _emb_body(idx_hbm, table_hbm, out_hbm, idx_v, rows_v, sem_g, sem_s):
    wid = lax.axis_index("s") * NC + lax.axis_index("c")
    base = wid * BPW
    pltpu.sync_copy(idx_hbm.at[wid], idx_v)

    def fire_gathers(r, buf):
        for k in range(K):
            pltpu.async_copy(
                table_hbm.at[idx_v.at[pl.ds(r * ROWS_R + k * CHUNK, CHUNK)]],
                rows_v.at[buf, pl.ds(k * CHUNK, CHUNK)],
                sem_g.at[buf],
            )

    def drain_gathers(buf):
        for k in range(K):
            pltpu.make_async_copy(
                table_hbm.at[idx_v.at[pl.ds(0, CHUNK)]],
                rows_v.at[buf, pl.ds(k * CHUNK, CHUNK)],
                sem_g.at[buf],
            ).wait()

    fire_gathers(0, 0)

    def round_step(r, buf):
        other = 1 - buf
        drain_gathers(buf)
        pltpu.async_copy(
            rows_v.at[buf],
            out_hbm.at[pl.ds(base + r * ROWS_R, ROWS_R)],
            sem_s.at[buf],
        )
        @pl.when(r >= 1)
        def _():
            pltpu.make_async_copy(
                rows_v.at[other],
                out_hbm.at[pl.ds(base, ROWS_R)],
                sem_s.at[other],
            ).wait()

        @pl.when(r + 1 < ROUNDS)
        def _():
            fire_gathers(r + 1, other)

    def body(i, _):
        round_step(2 * i, 0)
        round_step(2 * i + 1, 1)
        return 0

    lax.fori_loop(0, ROUNDS // 2, body, 0)

    pltpu.make_async_copy(
        rows_v.at[(ROUNDS - 1) % 2],
        out_hbm.at[pl.ds(base, ROWS_R)],
        sem_s.at[(ROUNDS - 1) % 2],
    ).wait()


@jax.jit
def _emb(idx, table):
    mesh = plsc.VectorSubcoreMesh(core_axis_name="c", subcore_axis_name="s")
    f = functools.partial(
        pl.kernel,
        mesh=mesh,
        out_type=jax.ShapeDtypeStruct((B, EMBED), jnp.float32),
        scratch_types=[
            pltpu.VMEM((BPW,), jnp.int32),
            pltpu.VMEM((2, ROWS_R, EMBED), jnp.float32),
            pltpu.SemaphoreType.DMA((2,)),
            pltpu.SemaphoreType.DMA((2,)),
        ],
        compiler_params=pltpu.CompilerParams(
            use_tc_tiling_on_sc=False,
            allow_input_fusion=[True, True],
        ),
    )(_emb_body)
    return f(idx, table)


def kernel(indices, table):
    idx = indices.reshape(NW, BPW)
    out = _emb(idx, table)
    return out.reshape(BATCH, HIST, EMBED)

# --- scband reference (transcript-rebuilt; emitter-appended) ---
"""Pipeline reference for scband-word-embeddings-2499670966743 (READ-ONLY COPY).

The authoritative reference and input builder live on the scoring server;
editing this copy changes nothing except your own understanding.
"""

import jax, jax.numpy as jnp
import numpy as np

VOCAB = 1000000
EMBED = 64
PAD_IDX = 0
BATCH = 4096
HIST = 50


def setup_inputs(seed: int = 0) -> dict:
    key = jax.random.key(seed)
    k_idx, k_tab = jax.random.split(key)
    indices = jax.random.randint(k_idx, (BATCH, HIST), 0, VOCAB, dtype=jnp.int32)
    table = jax.random.normal(k_tab, (VOCAB, EMBED), dtype=jnp.float32)
    # nn.Embedding(padding_idx=PAD_IDX) initializes the pad row to zeros
    table = table.at[PAD_IDX].set(0.0)
    return {"indices": indices, "table": table}


def reference(indices, table):
    # Faithful translation of nn.Embedding(len(vocab), embed_size, padding_idx=pad_token_idx)
    # padding_idx semantics: the pad row always embeds to zeros.
    mask = (jnp.arange(table.shape[0], dtype=jnp.int32) != PAD_IDX)[:, None].astype(table.dtype)
    t = table * mask
    return jnp.take(t, indices, axis=0)

if __name__ == "__main__":
    import jax
    _d = setup_inputs()
    print(jax.jit(kernel)(*tuple(_d.values())))

</pallas_src>

<mosaic_0001>
#map = affine_map<(d0, d1) -> (0, 0)>
module attributes {stable_mosaic.version = 14 : i64} {
  func.func @_emb_body(%arg0: i32, %arg1: i32, %arg2: memref<32x6400xi32, #tpu.memory_space<hbm>>, %arg3: memref<1000000x64xf32, #tpu.memory_space<hbm>>, %arg4: memref<204800x64xf32, #tpu.memory_space<hbm>>, %arg5: memref<6400xi32, #tpu.memory_space<vmem>>, %arg6: memref<2x640x64xf32, #tpu.memory_space<vmem>>, %arg7: memref<2x!tpu.dma_semaphore, #tpu.memory_space<semaphore_mem>>, %arg8: memref<2x!tpu.dma_semaphore, #tpu.memory_space<semaphore_mem>>) attributes {dimension_semantics = [#tpu.dimension_semantics<core_parallel>, #tpu.dimension_semantics<subcore_parallel>], iteration_bounds = array<i64: 2, 16>, scalar_prefetch = 0 : i64, scratch_operands = 4 : i64, tpu.core_type = #tpu.core_type<sc_vector_subcore>, window_params = [{transform_indices = #map}, {transform_indices = #map}, {transform_indices = #map}]} {
    %mul3A = arith.constant 2 : i32
    %mul3A_0 = arith.muli %arg1, %mul3A : i32
    %add3A = arith.addi %mul3A_0, %arg0 : i32
    %mul3A_1 = arith.constant 6400 : i32
    %mul3A_2 = arith.muli %add3A, %mul3A_1 : i32
    "tpu.region"() ({
      %run_scoped3A = tpu.sem_alloc : memref<!tpu.dma_semaphore, #tpu.memory_space<semaphore_mem>>
      %dma_start3A_88 = arith.constant 0 : i32
      %dma_start3A_89 = tpu.memref_slice %arg2[%add3A, %dma_start3A_88] : memref<32x6400xi32, #tpu.memory_space<hbm>> -> memref<1x6400xi32, #tpu.memory_space<hbm>>
      %dma_start3A_90 = tpu.memref_squeeze %dma_start3A_89 : memref<1x6400xi32, #tpu.memory_space<hbm>> -> memref<6400xi32, #tpu.memory_space<hbm>>
      %dma_start3A_91 = arith.constant 0 : i32
      %dma_start3A_92 = tpu.memref_slice %arg2[%add3A, %dma_start3A_91] : memref<32x6400xi32, #tpu.memory_space<hbm>> -> memref<1x6400xi32, #tpu.memory_space<hbm>>
      %dma_start3A_93 = tpu.memref_squeeze %dma_start3A_92 : memref<1x6400xi32, #tpu.memory_space<hbm>> -> memref<6400xi32, #tpu.memory_space<hbm>>
      tpu.enqueue_dma source(%dma_start3A_93 : memref<6400xi32, #tpu.memory_space<hbm>>) target(%arg5 : memref<6400xi32, #tpu.memory_space<vmem>>) target_semaphore(%run_scoped3A : memref<!tpu.dma_semaphore, #tpu.memory_space<semaphore_mem>>)
      %dma_wait3A_94 = arith.constant 0 : i32
      %dma_wait3A_95 = tpu.memref_slice %arg2[%add3A, %dma_wait3A_94] : memref<32x6400xi32, #tpu.memory_space<hbm>> -> memref<1x6400xi32, #tpu.memory_space<hbm>>
      %dma_wait3A_96 = tpu.memref_squeeze %dma_wait3A_95 : memref<1x6400xi32, #tpu.memory_space<hbm>> -> memref<6400xi32, #tpu.memory_space<hbm>>
      %dma_wait3A_97 = arith.constant 0 : i32
      %dma_wait3A_98 = tpu.memref_slice %arg2[%add3A, %dma_wait3A_97] : memref<32x6400xi32, #tpu.memory_space<hbm>> -> memref<1x6400xi32, #tpu.memory_space<hbm>>
      %dma_wait3A_99 = tpu.memref_squeeze %dma_wait3A_98 : memref<1x6400xi32, #tpu.memory_space<hbm>> -> memref<6400xi32, #tpu.memory_space<hbm>>
      tpu.wait_dma2 semaphore(%run_scoped3A : memref<!tpu.dma_semaphore, #tpu.memory_space<semaphore_mem>>) src(%dma_wait3A_99 : memref<6400xi32, #tpu.memory_space<hbm>>) dst(%arg5 : memref<6400xi32, #tpu.memory_space<vmem>>)
      tpu.yield
    }) : () -> ()
    %dma_start3A = arith.constant 0 : i32
    %dma_start3A_3 = arith.constant 0 : i32
    %dma_start3A_4 = arith.constant 0 : i32
    %dma_start3A_5 = arith.constant 0 : i32
    %dma_start3A_6 = tpu.memref_slice %arg6[%dma_start3A, %dma_start3A_4, %dma_start3A_5] : memref<2x640x64xf32, #tpu.memory_space<vmem>> -> memref<1x128x64xf32, #tpu.memory_space<vmem>>
    %dma_start3A_7 = tpu.memref_squeeze %dma_start3A_6 : memref<1x128x64xf32, #tpu.memory_space<vmem>> -> memref<128x64xf32, #tpu.memory_space<vmem>>
    %dma_start3A_8 = arith.constant 0 : i32
    %dma_start3A_9 = tpu.memref_slice %arg5[%dma_start3A_8] : memref<6400xi32, #tpu.memory_space<vmem>> -> memref<128xi32, #tpu.memory_space<vmem>>
    %dma_start3A_10 = arith.constant 0 : i32
    %dma_start3A_11 = arith.constant 0 : i32
    %dma_start3A_12 = tpu.memref_slice %arg3[%dma_start3A_10, %dma_start3A_11] : memref<1000000x64xf32, #tpu.memory_space<hbm>> -> memref<1000000x64xf32, #tpu.memory_space<hbm>>
    %dma_start3A_13 = tpu.memref_slice %arg7[%dma_start3A_3] : memref<2x!tpu.dma_semaphore, #tpu.memory_space<semaphore_mem>> -> memref<1x!tpu.dma_semaphore, #tpu.memory_space<semaphore_mem>>
    %dma_start3A_14 = tpu.memref_squeeze %dma_start3A_13 : memref<1x!tpu.dma_semaphore, #tpu.memory_space<semaphore_mem>> -> memref<!tpu.dma_semaphore, #tpu.memory_space<semaphore_mem>>
    tpu.enqueue_indirect_dma source(%dma_start3A_12 : memref<1000000x64xf32, #tpu.memory_space<hbm>>) target(%dma_start3A_7 : memref<128x64xf32, #tpu.memory_space<vmem>>) offsets(%dma_start3A_9 : memref<128xi32, #tpu.memory_space<vmem>>) semaphore(%dma_start3A_14 : memref<!tpu.dma_semaphore, #tpu.memory_space<semaphore_mem>>)
    %dma_start3A_15 = arith.constant 0 : i32
    %dma_start3A_16 = arith.constant 0 : i32
    %dma_start3A_17 = arith.constant 128 : i32
    %dma_start3A_18 = arith.constant 0 : i32
    %dma_start3A_19 = tpu.memref_slice %arg6[%dma_start3A_15, %dma_start3A_17, %dma_start3A_18] : memref<2x640x64xf32, #tpu.memory_space<vmem>> -> memref<1x128x64xf32, #tpu.memory_space<vmem>>
    %dma_start3A_20 = tpu.memref_squeeze %dma_start3A_19 : memref<1x128x64xf32, #tpu.memory_space<vmem>> -> memref<128x64xf32, #tpu.memory_space<vmem>>
    %dma_start3A_21 = arith.constant 128 : i32
    %dma_start3A_22 = tpu.memref_slice %arg5[%dma_start3A_21] : memref<6400xi32, #tpu.memory_space<vmem>> -> memref<128xi32, #tpu.memory_space<vmem>>
    %dma_start3A_23 = arith.constant 0 : i32
    %dma_start3A_24 = arith.constant 0 : i32
    %dma_start3A_25 = tpu.memref_slice %arg3[%dma_start3A_23, %dma_start3A_24] : memref<1000000x64xf32, #tpu.memory_space<hbm>> -> memref<1000000x64xf32, #tpu.memory_space<hbm>>
    %dma_start3A_26 = tpu.memref_slice %arg7[%dma_start3A_16] : memref<2x!tpu.dma_semaphore, #tpu.memory_space<semaphore_mem>> -> memref<1x!tpu.dma_semaphore, #tpu.memory_space<semaphore_mem>>
    %dma_start3A_27 = tpu.memref_squeeze %dma_start3A_26 : memref<1x!tpu.dma_semaphore, #tpu.memory_space<semaphore_mem>> -> memref<!tpu.dma_semaphore, #tpu.memory_space<semaphore_mem>>
    tpu.enqueue_indirect_dma source(%dma_start3A_25 : memref<1000000x64xf32, #tpu.memory_space<hbm>>) target(%dma_start3A_20 : memref<128x64xf32, #tpu.memory_space<vmem>>) offsets(%dma_start3A_22 : memref<128xi32, #tpu.memory_space<vmem>>) semaphore(%dma_start3A_27 : memref<!tpu.dma_semaphore, #tpu.memory_space<semaphore_mem>>)
    %dma_start3A_28 = arith.constant 0 : i32
    %dma_start3A_29 = arith.constant 0 : i32
    %dma_start3A_30 = arith.constant 256 : i32
    %dma_start3A_31 = arith.constant 0 : i32
    %dma_start3A_32 = tpu.memref_slice %arg6[%dma_start3A_28, %dma_start3A_30, %dma_start3A_31] : memref<2x640x64xf32, #tpu.memory_space<vmem>> -> memref<1x128x64xf32, #tpu.memory_space<vmem>>
    %dma_start3A_33 = tpu.memref_squeeze %dma_start3A_32 : memref<1x128x64xf32, #tpu.memory_space<vmem>> -> memref<128x64xf32, #tpu.memory_space<vmem>>
    %dma_start3A_34 = arith.constant 256 : i32
    %dma_start3A_35 = tpu.memref_slice %arg5[%dma_start3A_34] : memref<6400xi32, #tpu.memory_space<vmem>> -> memref<128xi32, #tpu.memory_space<vmem>>
    %dma_start3A_36 = arith.constant 0 : i32
    %dma_start3A_37 = arith.constant 0 : i32
    %dma_start3A_38 = tpu.memref_slice %arg3[%dma_start3A_36, %dma_start3A_37] : memref<1000000x64xf32, #tpu.memory_space<hbm>> -> memref<1000000x64xf32, #tpu.memory_space<hbm>>
    %dma_start3A_39 = tpu.memref_slice %arg7[%dma_start3A_29] : memref<2x!tpu.dma_semaphore, #tpu.memory_space<semaphore_mem>> -> memref<1x!tpu.dma_semaphore, #tpu.memory_space<semaphore_mem>>
    %dma_start3A_40 = tpu.memref_squeeze %dma_start3A_39 : memref<1x!tpu.dma_semaphore, #tpu.memory_space<semaphore_mem>> -> memref<!tpu.dma_semaphore, #tpu.memory_space<semaphore_mem>>
    tpu.enqueue_indirect_dma source(%dma_start3A_38 : memref<1000000x64xf32, #tpu.memory_space<hbm>>) target(%dma_start3A_33 : memref<128x64xf32, #tpu.memory_space<vmem>>) offsets(%dma_start3A_35 : memref<128xi32, #tpu.memory_space<vmem>>) semaphore(%dma_start3A_40 : memref<!tpu.dma_semaphore, #tpu.memory_space<semaphore_mem>>)
    %dma_start3A_41 = arith.constant 0 : i32
    %dma_start3A_42 = arith.constant 0 : i32
    %dma_start3A_43 = arith.constant 384 : i32
    %dma_start3A_44 = arith.constant 0 : i32
    %dma_start3A_45 = tpu.memref_slice %arg6[%dma_start3A_41, %dma_start3A_43, %dma_start3A_44] : memref<2x640x64xf32, #tpu.memory_space<vmem>> -> memref<1x128x64xf32, #tpu.memory_space<vmem>>
    %dma_start3A_46 = tpu.memref_squeeze %dma_start3A_45 : memref<1x128x64xf32, #tpu.memory_space<vmem>> -> memref<128x64xf32, #tpu.memory_space<vmem>>
    %dma_start3A_47 = arith.constant 384 : i32
    %dma_start3A_48 = tpu.memref_slice %arg5[%dma_start3A_47] : memref<6400xi32, #tpu.memory_space<vmem>> -> memref<128xi32, #tpu.memory_space<vmem>>
    %dma_start3A_49 = arith.constant 0 : i32
    %dma_start3A_50 = arith.constant 0 : i32
    %dma_start3A_51 = tpu.memref_slice %arg3[%dma_start3A_49, %dma_start3A_50] : memref<1000000x64xf32, #tpu.memory_space<hbm>> -> memref<1000000x64xf32, #tpu.memory_space<hbm>>
    %dma_start3A_52 = tpu.memref_slice %arg7[%dma_start3A_42] : memref<2x!tpu.dma_semaphore, #tpu.memory_space<semaphore_mem>> -> memref<1x!tpu.dma_semaphore, #tpu.memory_space<semaphore_mem>>
    %dma_start3A_53 = tpu.memref_squeeze %dma_start3A_52 : memref<1x!tpu.dma_semaphore, #tpu.memory_space<semaphore_mem>> -> memref<!tpu.dma_semaphore, #tpu.memory_space<semaphore_mem>>
    tpu.enqueue_indirect_dma source(%dma_start3A_51 : memref<1000000x64xf32, #tpu.memory_space<hbm>>) target(%dma_start3A_46 : memref<128x64xf32, #tpu.memory_space<vmem>>) offsets(%dma_start3A_48 : memref<128xi32, #tpu.memory_space<vmem>>) semaphore(%dma_start3A_53 : memref<!tpu.dma_semaphore, #tpu.memory_space<semaphore_mem>>)
    %dma_start3A_54 = arith.constant 0 : i32
    %dma_start3A_55 = arith.constant 0 : i32
    %dma_start3A_56 = arith.constant 512 : i32
    %dma_start3A_57 = arith.constant 0 : i32
    %dma_start3A_58 = tpu.memref_slice %arg6[%dma_start3A_54, %dma_start3A_56, %dma_start3A_57] : memref<2x640x64xf32, #tpu.memory_space<vmem>> -> memref<1x128x64xf32, #tpu.memory_space<vmem>>
    %dma_start3A_59 = tpu.memref_squeeze %dma_start3A_58 : memref<1x128x64xf32, #tpu.memory_space<vmem>> -> memref<128x64xf32, #tpu.memory_space<vmem>>
    %dma_start3A_60 = arith.constant 512 : i32
    %dma_start3A_61 = tpu.memref_slice %arg5[%dma_start3A_60] : memref<6400xi32, #tpu.memory_space<vmem>> -> memref<128xi32, #tpu.memory_space<vmem>>
    %dma_start3A_62 = arith.constant 0 : i32
    %dma_start3A_63 = arith.constant 0 : i32
    %dma_start3A_64 = tpu.memref_slice %arg3[%dma_start3A_62, %dma_start3A_63] : memref<1000000x64xf32, #tpu.memory_space<hbm>> -> memref<1000000x64xf32, #tpu.memory_space<hbm>>
    %dma_start3A_65 = tpu.memref_slice %arg7[%dma_start3A_55] : memref<2x!tpu.dma_semaphore, #tpu.memory_space<semaphore_mem>> -> memref<1x!tpu.dma_semaphore, #tpu.memory_space<semaphore_mem>>
    %dma_start3A_66 = tpu.memref_squeeze %dma_start3A_65 : memref<1x!tpu.dma_semaphore, #tpu.memory_space<semaphore_mem>> -> memref<!tpu.dma_semaphore, #tpu.memory_space<semaphore_mem>>
    tpu.enqueue_indirect_dma source(%dma_start3A_64 : memref<1000000x64xf32, #tpu.memory_space<hbm>>) target(%dma_start3A_59 : memref<128x64xf32, #tpu.memory_space<vmem>>) offsets(%dma_start3A_61 : memref<128xi32, #tpu.memory_space<vmem>>) semaphore(%dma_start3A_66 : memref<!tpu.dma_semaphore, #tpu.memory_space<semaphore_mem>>)
    %scan3A = arith.constant 0 : i32
    %scan3A_67 = arith.constant 0 : i32
    %scan3A_68 = arith.constant 5 : i32
    %scan3A_69 = arith.addi %scan3A_67, %scan3A_68 : i32
    %scan3A_70 = arith.constant 1 : i32
    %scan3A_71 = scf.for %scan3A_88 = %scan3A_67 to %scan3A_69 step %scan3A_70 iter_args(%scan3A_89 = %scan3A) -> (i32)  : i32 {
      %mul3A_90 = arith.constant 2 : i32
      %mul3A_91 = arith.muli %mul3A_90, %scan3A_88 : i32
      %dma_wait3A_92 = arith.constant 0 : i32
      %dma_wait3A_93 = arith.constant 0 : i32
      %dma_wait3A_94 = arith.constant 0 : i32
      %dma_wait3A_95 = arith.constant 0 : i32
      %dma_wait3A_96 = tpu.memref_slice %arg6[%dma_wait3A_92, %dma_wait3A_94, %dma_wait3A_95] : memref<2x640x64xf32, #tpu.memory_space<vmem>> -> memref<1x128x64xf32, #tpu.memory_space<vmem>>
      %dma_wait3A_97 = tpu.memref_squeeze %dma_wait3A_96 : memref<1x128x64xf32, #tpu.memory_space<vmem>> -> memref<128x64xf32, #tpu.memory_space<vmem>>
      %dma_wait3A_98 = arith.constant 0 : i32
      %dma_wait3A_99 = tpu.memref_slice %arg5[%dma_wait3A_98] : memref<6400xi32, #tpu.memory_space<vmem>> -> memref<128xi32, #tpu.memory_space<vmem>>
      %dma_wait3A_100 = arith.constant 0 : i32
      %dma_wait3A_101 = arith.constant 0 : i32
      %dma_wait3A_102 = tpu.memref_slice %arg3[%dma_wait3A_100, %dma_wait3A_101] : memref<1000000x64xf32, #tpu.memory_space<hbm>> -> memref<1000000x64xf32, #tpu.memory_space<hbm>>
      %dma_wait3A_103 = tpu.memref_slice %arg7[%dma_wait3A_93] : memref<2x!tpu.dma_semaphore, #tpu.memory_space<semaphore_mem>> -> memref<1x!tpu.dma_semaphore, #tpu.memory_space<semaphore_mem>>
      %dma_wait3A_104 = tpu.memref_squeeze %dma_wait3A_103 : memref<1x!tpu.dma_semaphore, #tpu.memory_space<semaphore_mem>> -> memref<!tpu.dma_semaphore, #tpu.memory_space<semaphore_mem>>
      tpu.wait_indirect_dma semaphore(%dma_wait3A_104 : memref<!tpu.dma_semaphore, #tpu.memory_space<semaphore_mem>>) src(%dma_wait3A_102 : memref<1000000x64xf32, #tpu.memory_space<hbm>>) dst(%dma_wait3A_97 : memref<128x64xf32, #tpu.memory_space<vmem>>)
      %dma_wait3A_105 = arith.constant 0 : i32
      %dma_wait3A_106 = arith.constant 0 : i32
      %dma_wait3A_107 = arith.constant 128 : i32
      %dma_wait3A_108 = arith.constant 0 : i32
      %dma_wait3A_109 = tpu.memref_slice %arg6[%dma_wait3A_105, %dma_wait3A_107, %dma_wait3A_108] : memref<2x640x64xf32, #tpu.memory_space<vmem>> -> memref<1x128x64xf32, #tpu.memory_space<vmem>>
      %dma_wait3A_110 = tpu.memref_squeeze %dma_wait3A_109 : memref<1x128x64xf32, #tpu.memory_space<vmem>> -> memref<128x64xf32, #tpu.memory_space<vmem>>
      %dma_wait3A_111 = arith.constant 0 : i32
      %dma_wait3A_112 = tpu.memref_slice %arg5[%dma_wait3A_111] : memref<6400xi32, #tpu.memory_space<vmem>> -> memref<128xi32, #tpu.memory_space<vmem>>
      %dma_wait3A_113 = arith.constant 0 : i32
      %dma_wait3A_114 = arith.constant 0 : i32
      %dma_wait3A_115 = tpu.memref_slice %arg3[%dma_wait3A_113, %dma_wait3A_114] : memref<1000000x64xf32, #tpu.memory_space<hbm>> -> memref<1000000x64xf32, #tpu.memory_space<hbm>>
      %dma_wait3A_116 = tpu.memref_slice %arg7[%dma_wait3A_106] : memref<2x!tpu.dma_semaphore, #tpu.memory_space<semaphore_mem>> -> memref<1x!tpu.dma_semaphore, #tpu.memory_space<semaphore_mem>>
      %dma_wait3A_117 = tpu.memref_squeeze %dma_wait3A_116 : memref<1x!tpu.dma_semaphore, #tpu.memory_space<semaphore_mem>> -> memref<!tpu.dma_semaphore, #tpu.memory_space<semaphore_mem>>
      tpu.wait_indirect_dma semaphore(%dma_wait3A_117 : memref<!tpu.dma_semaphore, #tpu.memory_space<semaphore_mem>>) src(%dma_wait3A_115 : memref<1000000x64xf32, #tpu.memory_space<hbm>>) dst(%dma_wait3A_110 : memref<128x64xf32, #tpu.memory_space<vmem>>)
      %dma_wait3A_118 = arith.constant 0 : i32
      %dma_wait3A_119 = arith.constant 0 : i32
      %dma_wait3A_120 = arith.constant 256 : i32
      %dma_wait3A_121 = arith.constant 0 : i32
      %dma_wait3A_122 = tpu.memref_slice %arg6[%dma_wait3A_118, %dma_wait3A_120, %dma_wait3A_121] : memref<2x640x64xf32, #tpu.memory_space<vmem>> -> memref<1x128x64xf32, #tpu.memory_space<vmem>>
      %dma_wait3A_123 = tpu.memref_squeeze %dma_wait3A_122 : memref<1x128x64xf32, #tpu.memory_space<vmem>> -> memref<128x64xf32, #tpu.memory_space<vmem>>
      %dma_wait3A_124 = arith.constant 0 : i32
      %dma_wait3A_125 = tpu.memref_slice %arg5[%dma_wait3A_124] : memref<6400xi32, #tpu.memory_space<vmem>> -> memref<128xi32, #tpu.memory_space<vmem>>
      %dma_wait3A_126 = arith.constant 0 : i32
      %dma_wait3A_127 = arith.constant 0 : i32
      %dma_wait3A_128 = tpu.memref_slice %arg3[%dma_wait3A_126, %dma_wait3A_127] : memref<1000000x64xf32, #tpu.memory_space<hbm>> -> memref<1000000x64xf32, #tpu.memory_space<hbm>>
      %dma_wait3A_129 = tpu.memref_slice %arg7[%dma_wait3A_119] : memref<2x!tpu.dma_semaphore, #tpu.memory_space<semaphore_mem>> -> memref<1x!tpu.dma_semaphore, #tpu.memory_space<semaphore_mem>>
      %dma_wait3A_130 = tpu.memref_squeeze %dma_wait3A_129 : memref<1x!tpu.dma_semaphore, #tpu.memory_space<semaphore_mem>> -> memref<!tpu.dma_semaphore, #tpu.memory_space<semaphore_mem>>
      tpu.wait_indirect_dma semaphore(%dma_wait3A_130 : memref<!tpu.dma_semaphore, #tpu.memory_space<semaphore_mem>>) src(%dma_wait3A_128 : memref<1000000x64xf32, #tpu.memory_space<hbm>>) dst(%dma_wait3A_123 : memref<128x64xf32, #tpu.memory_space<vmem>>)
      %dma_wait3A_131 = arith.constant 0 : i32
      %dma_wait3A_132 = arith.constant 0 : i32
      %dma_wait3A_133 = arith.constant 384 : i32
      %dma_wait3A_134 = arith.constant 0 : i32
      %dma_wait3A_135 = tpu.memref_slice %arg6[%dma_wait3A_131, %dma_wait3A_133, %dma_wait3A_134] : memref<2x640x64xf32, #tpu.memory_space<vmem>> -> memref<1x128x64xf32, #tpu.memory_space<vmem>>
      %dma_wait3A_136 = tpu.memref_squeeze %dma_wait3A_135 : memref<1x128x64xf32, #tpu.memory_space<vmem>> -> memref<128x64xf32, #tpu.memory_space<vmem>>
      %dma_wait3A_137 = arith.constant 0 : i32
      %dma_wait3A_138 = tpu.memref_slice %arg5[%dma_wait3A_137] : memref<6400xi32, #tpu.memory_space<vmem>> -> memref<128xi32, #tpu.memory_space<vmem>>
      %dma_wait3A_139 = arith.constant 0 : i32
      %dma_wait3A_140 = arith.constant 0 : i32
      %dma_wait3A_141 = tpu.memref_slice %arg3[%dma_wait3A_139, %dma_wait3A_140] : memref<1000000x64xf32, #tpu.memory_space<hbm>> -> memref<1000000x64xf32, #tpu.memory_space<hbm>>
      %dma_wait3A_142 = tpu.memref_slice %arg7[%dma_wait3A_132] : memref<2x!tpu.dma_semaphore, #tpu.memory_space<semaphore_mem>> -> memref<1x!tpu.dma_semaphore, #tpu.memory_space<semaphore_mem>>
      %dma_wait3A_143 = tpu.memref_squeeze %dma_wait3A_142 : memref<1x!tpu.dma_semaphore, #tpu.memory_space<semaphore_mem>> -> memref<!tpu.dma_semaphore, #tpu.memory_space<semaphore_mem>>
      tpu.wait_indirect_dma semaphore(%dma_wait3A_143 : memref<!tpu.dma_semaphore, #tpu.memory_space<semaphore_mem>>) src(%dma_wait3A_141 : memref<1000000x64xf32, #tpu.memory_space<hbm>>) dst(%dma_wait3A_136 : memref<128x64xf32, #tpu.memory_space<vmem>>)
      %dma_wait3A_144 = arith.constant 0 : i32
      %dma_wait3A_145 = arith.constant 0 : i32
      %dma_wait3A_146 = arith.constant 512 : i32
      %dma_wait3A_147 = arith.constant 0 : i32
      %dma_wait3A_148 = tpu.memref_slice %arg6[%dma_wait3A_144, %dma_wait3A_146, %dma_wait3A_147] : memref<2x640x64xf32, #tpu.memory_space<vmem>> -> memref<1x128x64xf32, #tpu.memory_space<vmem>>
      %dma_wait3A_149 = tpu.memref_squeeze %dma_wait3A_148 : memref<1x128x64xf32, #tpu.memory_space<vmem>> -> memref<128x64xf32, #tpu.memory_space<vmem>>
      %dma_wait3A_150 = arith.constant 0 : i32
      %dma_wait3A_151 = tpu.memref_slice %arg5[%dma_wait3A_150] : memref<6400xi32, #tpu.memory_space<vmem>> -> memref<128xi32, #tpu.memory_space<vmem>>
      %dma_wait3A_152 = arith.constant 0 : i32
      %dma_wait3A_153 = arith.constant 0 : i32
      %dma_wait3A_154 = tpu.memref_slice %arg3[%dma_wait3A_152, %dma_wait3A_153] : memref<1000000x64xf32, #tpu.memory_space<hbm>> -> memref<1000000x64xf32, #tpu.memory_space<hbm>>
      %dma_wait3A_155 = tpu.memref_slice %arg7[%dma_wait3A_145] : memref<2x!tpu.dma_semaphore, #tpu.memory_space<semaphore_mem>> -> memref<1x!tpu.dma_semaphore, #tpu.memory_space<semaphore_mem>>
      %dma_wait3A_156 = tpu.memref_squeeze %dma_wait3A_155 : memref<1x!tpu.dma_semaphore, #tpu.memory_space<semaphore_mem>> -> memref<!tpu.dma_semaphore, #tpu.memory_space<semaphore_mem>>
      tpu.wait_indirect_dma semaphore(%dma_wait3A_156 : memref<!tpu.dma_semaphore, #tpu.memory_space<semaphore_mem>>) src(%dma_wait3A_154 : memref<1000000x64xf32, #tpu.memory_space<hbm>>) dst(%dma_wait3A_149 : memref<128x64xf32, #tpu.memory_space<vmem>>)
      %mul3A_157 = arith.constant 640 : i32
      %mul3A_158 = arith.muli %mul3A_91, %mul3A_157 : i32
      %add3A_159 = arith.addi %mul3A_2, %mul3A_158 : i32
      %dma_start3A_160 = arith.constant 0 : i32
      %dma_start3A_161 = arith.constant 0 : i32
      %dma_start3A_162 = arith.constant 0 : i32
      %dma_start3A_163 = arith.constant 0 : i32
      %dma_start3A_164 = tpu.memref_slice %arg6[%dma_start3A_160, %dma_start3A_162, %dma_start3A_163] : memref<2x640x64xf32, #tpu.memory_space<vmem>> -> memref<1x640x64xf32, #tpu.memory_space<vmem>>
      %dma_start3A_165 = tpu.memref_squeeze %dma_start3A_164 : memref<1x640x64xf32, #tpu.memory_space<vmem>> -> memref<640x64xf32, #tpu.memory_space<vmem>>
      %dma_start3A_166 = arith.constant 0 : i32
      %dma_start3A_167 = tpu.memref_slice %arg4[%add3A_159, %dma_start3A_166] : memref<204800x64xf32, #tpu.memory_space<hbm>> -> memref<640x64xf32, #tpu.memory_space<hbm>>
      %dma_start3A_168 = tpu.memref_slice %arg8[%dma_start3A_161] : memref<2x!tpu.dma_semaphore, #tpu.memory_space<semaphore_mem>> -> memref<1x!tpu.dma_semaphore, #tpu.memory_space<semaphore_mem>>
      %dma_start3A_169 = tpu.memref_squeeze %dma_start3A_168 : memref<1x!tpu.dma_semaphore, #tpu.memory_space<semaphore_mem>> -> memref<!tpu.dma_semaphore, #tpu.memory_space<semaphore_mem>>
      %dma_start3A_170 = arith.constant 0 : i32
      %dma_start3A_171 = tpu.memref_slice %arg4[%add3A_159, %dma_start3A_170] : memref<204800x64xf32, #tpu.memory_space<hbm>> -> memref<640x64xf32, #tpu.memory_space<hbm>>
      %dma_start3A_172 = arith.constant 0 : i32
      %dma_start3A_173 = arith.constant 0 : i32
      %dma_start3A_174 = tpu.memref_slice %arg6[%dma_start3A_160, %dma_start3A_172, %dma_start3A_173] : memref<2x640x64xf32, #tpu.memory_space<vmem>> -> memref<1x640x64xf32, #tpu.memory_space<vmem>>
      %dma_start3A_175 = tpu.memref_squeeze %dma_start3A_174 : memref<1x640x64xf32, #tpu.memory_space<vmem>> -> memref<640x64xf32, #tpu.memory_space<vmem>>
      tpu.enqueue_dma source(%dma_start3A_175 : memref<640x64xf32, #tpu.memory_space<vmem>>) target(%dma_start3A_171 : memref<640x64xf32, #tpu.memory_space<hbm>>) target_semaphore(%dma_start3A_169 : memref<!tpu.dma_semaphore, #tpu.memory_space<semaphore_mem>>)
      %ge3A = arith.constant 1 : i32
      %ge3A_176 = arith.cmpi sge, %mul3A_91, %ge3A : i32
      %convert_element_type3A = arith.extui %ge3A_176 : i1 to i32
      %cond3A = arith.constant 0 : i32
      %cond3A_177 = arith.cmpi ne, %convert_element_type3A, %cond3A : i32
      scf.if %cond3A_177 {
        %dma_wait3A_285 = arith.constant 1 : i32
        %dma_wait3A_286 = arith.constant 1 : i32
        %dma_wait3A_287 = arith.constant 0 : i32
        %dma_wait3A_288 = arith.constant 0 : i32
        %dma_wait3A_289 = tpu.memref_slice %arg6[%dma_wait3A_285, %dma_wait3A_287, %dma_wait3A_288] : memref<2x640x64xf32, #tpu.memory_space<vmem>> -> memref<1x640x64xf32, #tpu.memory_space<vmem>>
        %dma_wait3A_290 = tpu.memref_squeeze %dma_wait3A_289 : memref<1x640x64xf32, #tpu.memory_space<vmem>> -> memref<640x64xf32, #tpu.memory_space<vmem>>
        %dma_wait3A_291 = arith.constant 0 : i32
        %dma_wait3A_292 = tpu.memref_slice %arg4[%mul3A_2, %dma_wait3A_291] : memref<204800x64xf32, #tpu.memory_space<hbm>> -> memref<640x64xf32, #tpu.memory_space<hbm>>
        %dma_wait3A_293 = tpu.memref_slice %arg8[%dma_wait3A_286] : memref<2x!tpu.dma_semaphore, #tpu.memory_space<semaphore_mem>> -> memref<1x!tpu.dma_semaphore, #tpu.memory_space<semaphore_mem>>
        %dma_wait3A_294 = tpu.memref_squeeze %dma_wait3A_293 : memref<1x!tpu.dma_semaphore, #tpu.memory_space<semaphore_mem>> -> memref<!tpu.dma_semaphore, #tpu.memory_space<semaphore_mem>>
        %dma_wait3A_295 = arith.constant 0 : i32
        %dma_wait3A_296 = tpu.memref_slice %arg4[%mul3A_2, %dma_wait3A_295] : memref<204800x64xf32, #tpu.memory_space<hbm>> -> memref<640x64xf32, #tpu.memory_space<hbm>>
        %dma_wait3A_297 = arith.constant 0 : i32
        %dma_wait3A_298 = arith.constant 0 : i32
        %dma_wait3A_299 = tpu.memref_slice %arg6[%dma_wait3A_285, %dma_wait3A_297, %dma_wait3A_298] : memref<2x640x64xf32, #tpu.memory_space<vmem>> -> memref<1x640x64xf32, #tpu.memory_space<vmem>>
        %dma_wait3A_300 = tpu.memref_squeeze %dma_wait3A_299 : memref<1x640x64xf32, #tpu.memory_space<vmem>> -> memref<640x64xf32, #tpu.memory_space<vmem>>
        tpu.wait_dma2 semaphore(%dma_wait3A_294 : memref<!tpu.dma_semaphore, #tpu.memory_space<semaphore_mem>>) src(%dma_wait3A_300 : memref<640x64xf32, #tpu.memory_space<vmem>>) dst(%dma_wait3A_296 : memref<640x64xf32, #tpu.memory_space<hbm>>)
      } else {
      }
      %add3A_178 = arith.constant 1 : i32
      %add3A_179 = arith.addi %mul3A_91, %add3A_178 : i32
      %lt3A = arith.constant 10 : i32
      %lt3A_180 = arith.cmpi slt, %add3A_179, %lt3A : i32
      %convert_element_type3A_181 = arith.extui %lt3A_180 : i1 to i32
      %cond3A_182 = arith.constant 0 : i32
      %cond3A_183 = arith.cmpi ne, %convert_element_type3A_181, %cond3A_182 : i32
      scf.if %cond3A_183 {
        %add3A_285 = arith.constant 1 : i32
        %add3A_286 = arith.addi %mul3A_91, %add3A_285 : i32
        %mul3A_287 = arith.constant 640 : i32
        %mul3A_288 = arith.muli %add3A_286, %mul3A_287 : i32
        %add3A_289 = arith.constant 0 : i32
        %add3A_290 = arith.addi %mul3A_288, %add3A_289 : i32
        %dma_start3A_291 = arith.constant 1 : i32
        %dma_start3A_292 = arith.constant 1 : i32
        %dma_start3A_293 = arith.constant 0 : i32
        %dma_start3A_294 = arith.constant 0 : i32
        %dma_start3A_295 = tpu.memref_slice %arg6[%dma_start3A_291, %dma_start3A_293, %dma_start3A_294] : memref<2x640x64xf32, #tpu.memory_space<vmem>> -> memref<1x128x64xf32, #tpu.memory_space<vmem>>
        %dma_start3A_296 = tpu.memref_squeeze %dma_start3A_295 : memref<1x128x64xf32, #tpu.memory_space<vmem>> -> memref<128x64xf32, #tpu.memory_space<vmem>>
        %dma_start3A_297 = tpu.memref_slice %arg5[%add3A_290] : memref<6400xi32, #tpu.memory_space<vmem>> -> memref<128xi32, #tpu.memory_space<vmem>>
        %dma_start3A_298 = arith.constant 0 : i32
        %dma_start3A_299 = arith.constant 0 : i32
        %dma_start3A_300 = tpu.memref_slice %arg3[%dma_start3A_298, %dma_start3A_299] : memref<1000000x64xf32, #tpu.memory_space<hbm>> -> memref<1000000x64xf32, #tpu.memory_space<hbm>>
        %dma_start3A_301 = tpu.memref_slice %arg7[%dma_start3A_292] : memref<2x!tpu.dma_semaphore, #tpu.memory_space<semaphore_mem>> -> memref<1x!tpu.dma_semaphore, #tpu.memory_space<semaphore_mem>>
        %dma_start3A_302 = tpu.memref_squeeze %dma_start3A_301 : memref<1x!tpu.dma_semaphore, #tpu.memory_space<semaphore_mem>> -> memref<!tpu.dma_semaphore, #tpu.memory_space<semaphore_mem>>
        tpu.enqueue_indirect_dma source(%dma_start3A_300 : memref<1000000x64xf32, #tpu.memory_space<hbm>>) target(%dma_start3A_296 : memref<128x64xf32, #tpu.memory_space<vmem>>) offsets(%dma_start3A_297 : memref<128xi32, #tpu.memory_space<vmem>>) semaphore(%dma_start3A_302 : memref<!tpu.dma_semaphore, #tpu.memory_space<semaphore_mem>>)
        %mul3A_303 = arith.constant 640 : i32
        %mul3A_304 = arith.muli %add3A_286, %mul3A_303 : i32
        %add3A_305 = arith.constant 128 : i32
        %add3A_306 = arith.addi %mul3A_304, %add3A_305 : i32
        %dma_start3A_307 = arith.constant 1 : i32
        %dma_start3A_308 = arith.constant 1 : i32
        %dma_start3A_309 = arith.constant 128 : i32
        %dma_start3A_310 = arith.constant 0 : i32
        %dma_start3A_311 = tpu.memref_slice %arg6[%dma_start3A_307, %dma_start3A_309, %dma_start3A_310] : memref<2x640x64xf32, #tpu.memory_space<vmem>> -> memref<1x128x64xf32, #tpu.memory_space<vmem>>
        %dma_start3A_312 = tpu.memref_squeeze %dma_start3A_311 : memref<1x128x64xf32, #tpu.memory_space<vmem>> -> memref<128x64xf32, #tpu.memory_space<vmem>>
        %dma_start3A_313 = tpu.memref_slice %arg5[%add3A_306] : memref<6400xi32, #tpu.memory_space<vmem>> -> memref<128xi32, #tpu.memory_space<vmem>>
        %dma_start3A_314 = arith.constant 0 : i32
        %dma_start3A_315 = arith.constant 0 : i32
        %dma_start3A_316 = tpu.memref_slice %arg3[%dma_start3A_314, %dma_start3A_315] : memref<1000000x64xf32, #tpu.memory_space<hbm>> -> memref<1000000x64xf32, #tpu.memory_space<hbm>>
        %dma_start3A_317 = tpu.memref_slice %arg7[%dma_start3A_308] : memref<2x!tpu.dma_semaphore, #tpu.memory_space<semaphore_mem>> -> memref<1x!tpu.dma_semaphore, #tpu.memory_space<semaphore_mem>>
        %dma_start3A_318 = tpu.memref_squeeze %dma_start3A_317 : memref<1x!tpu.dma_semaphore, #tpu.memory_space<semaphore_mem>> -> memref<!tpu.dma_semaphore, #tpu.memory_space<semaphore_mem>>
        tpu.enqueue_indirect_dma source(%dma_start3A_316 : memref<1000000x64xf32, #tpu.memory_space<hbm>>) target(%dma_start3A_312 : memref<128x64xf32, #tpu.memory_space<vmem>>) offsets(%dma_start3A_313 : memref<128xi32, #tpu.memory_space<vmem>>) semaphore(%dma_start3A_318 : memref<!tpu.dma_semaphore, #tpu.memory_space<semaphore_mem>>)
        %mul3A_319 = arith.constant 640 : i32
        %mul3A_320 = arith.muli %add3A_286, %mul3A_319 : i32
        %add3A_321 = arith.constant 256 : i32
        %add3A_322 = arith.addi %mul3A_320, %add3A_321 : i32
        %dma_start3A_323 = arith.constant 1 : i32
        %dma_start3A_324 = arith.constant 1 : i32
        %dma_start3A_325 = arith.constant 256 : i32
        %dma_start3A_326 = arith.constant 0 : i32
        %dma_start3A_327 = tpu.memref_slice %arg6[%dma_start3A_323, %dma_start3A_325, %dma_start3A_326] : memref<2x640x64xf32, #tpu.memory_space<vmem>> -> memref<1x128x64xf32, #tpu.memory_space<vmem>>
        %dma_start3A_328 = tpu.memref_squeeze %dma_start3A_327 : memref<1x128x64xf32, #tpu.memory_space<vmem>> -> memref<128x64xf32, #tpu.memory_space<vmem>>
        %dma_start3A_329 = tpu.memref_slice %arg5[%add3A_322] : memref<6400xi32, #tpu.memory_space<vmem>> -> memref<128xi32, #tpu.memory_space<vmem>>
        %dma_start3A_330 = arith.constant 0 : i32
        %dma_start3A_331 = arith.constant 0 : i32
        %dma_start3A_332 = tpu.memref_slice %arg3[%dma_start3A_330, %dma_start3A_331] : memref<1000000x64xf32, #tpu.memory_space<hbm>> -> memref<1000000x64xf32, #tpu.memory_space<hbm>>
        %dma_start3A_333 = tpu.memref_slice %arg7[%dma_start3A_324] : memref<2x!tpu.dma_semaphore, #tpu.memory_space<semaphore_mem>> -> memref<1x!tpu.dma_semaphore, #tpu.memory_space<semaphore_mem>>
        %dma_start3A_334 = tpu.memref_squeeze %dma_start3A_333 : memref<1x!tpu.dma_semaphore, #tpu.memory_space<semaphore_mem>> -> memref<!tpu.dma_semaphore, #tpu.memory_space<semaphore_mem>>
        tpu.enqueue_indirect_dma source(%dma_start3A_332 : memref<1000000x64xf32, #tpu.memory_space<hbm>>) target(%dma_start3A_328 : memref<128x64xf32, #tpu.memory_space<vmem>>) offsets(%dma_start3A_329 : memref<128xi32, #tpu.memory_space<vmem>>) semaphore(%dma_start3A_334 : memref<!tpu.dma_semaphore, #tpu.memory_space<semaphore_mem>>)
        %mul3A_335 = arith.constant 640 : i32
        %mul3A_336 = arith.muli %add3A_286, %mul3A_335 : i32
        %add3A_337 = arith.constant 384 : i32
        %add3A_338 = arith.addi %mul3A_336, %add3A_337 : i32
        %dma_start3A_339 = arith.constant 1 : i32
        %dma_start3A_340 = arith.constant 1 : i32
        %dma_start3A_341 = arith.constant 384 : i32
        %dma_start3A_342 = arith.constant 0 : i32
        %dma_start3A_343 = tpu.memref_slice %arg6[%dma_start3A_339, %dma_start3A_341, %dma_start3A_342] : memref<2x640x64xf32, #tpu.memory_space<vmem>> -> memref<1x128x64xf32, #tpu.memory_space<vmem>>
        %dma_start3A_344 = tpu.memref_squeeze %dma_start3A_343 : memref<1x128x64xf32, #tpu.memory_space<vmem>> -> memref<128x64xf32, #tpu.memory_space<vmem>>
        %dma_start3A_345 = tpu.memref_slice %arg5[%add3A_338] : memref<6400xi32, #tpu.memory_space<vmem>> -> memref<128xi32, #tpu.memory_space<vmem>>
        %dma_start3A_346 = arith.constant 0 : i32
        %dma_start3A_347 = arith.constant 0 : i32
        %dma_start3A_348 = tpu.memref_slice %arg3[%dma_start3A_346, %dma_start3A_347] : memref<1000000x64xf32, #tpu.memory_space<hbm>> -> memref<1000000x64xf32, #tpu.memory_space<hbm>>
        %dma_start3A_349 = tpu.memref_slice %arg7[%dma_start3A_340] : memref<2x!tpu.dma_semaphore, #tpu.memory_space<semaphore_mem>> -> memref<1x!tpu.dma_semaphore, #tpu.memory_space<semaphore_mem>>
        %dma_start3A_350 = tpu.memref_squeeze %dma_start3A_349 : memref<1x!tpu.dma_semaphore, #tpu.memory_space<semaphore_mem>> -> memref<!tpu.dma_semaphore, #tpu.memory_space<semaphore_mem>>
        tpu.enqueue_indirect_dma source(%dma_start3A_348 : memref<1000000x64xf32, #tpu.memory_space<hbm>>) target(%dma_start3A_344 : memref<128x64xf32, #tpu.memory_space<vmem>>) offsets(%dma_start3A_345 : memref<128xi32, #tpu.memory_space<vmem>>) semaphore(%dma_start3A_350 : memref<!tpu.dma_semaphore, #tpu.memory_space<semaphore_mem>>)
        %mul3A_351 = arith.constant 640 : i32
        %mul3A_352 = arith.muli %add3A_286, %mul3A_351 : i32
        %add3A_353 = arith.constant 512 : i32
        %add3A_354 = arith.addi %mul3A_352, %add3A_353 : i32
        %dma_start3A_355 = arith.constant 1 : i32
        %dma_start3A_356 = arith.constant 1 : i32
        %dma_start3A_357 = arith.constant 512 : i32
        %dma_start3A_358 = arith.constant 0 : i32
        %dma_start3A_359 = tpu.memref_slice %arg6[%dma_start3A_355, %dma_start3A_357, %dma_start3A_358] : memref<2x640x64xf32, #tpu.memory_space<vmem>> -> memref<1x128x64xf32, #tpu.memory_space<vmem>>
        %dma_start3A_360 = tpu.memref_squeeze %dma_start3A_359 : memref<1x128x64xf32, #tpu.memory_space<vmem>> -> memref<128x64xf32, #tpu.memory_space<vmem>>
        %dma_start3A_361 = tpu.memref_slice %arg5[%add3A_354] : memref<6400xi32, #tpu.memory_space<vmem>> -> memref<128xi32, #tpu.memory_space<vmem>>
        %dma_start3A_362 = arith.constant 0 : i32
        %dma_start3A_363 = arith.constant 0 : i32
        %dma_start3A_364 = tpu.memref_slice %arg3[%dma_start3A_362, %dma_start3A_363] : memref<1000000x64xf32, #tpu.memory_space<hbm>> -> memref<1000000x64xf32, #tpu.memory_space<hbm>>
        %dma_start3A_365 = tpu.memref_slice %arg7[%dma_start3A_356] : memref<2x!tpu.dma_semaphore, #tpu.memory_space<semaphore_mem>> -> memref<1x!tpu.dma_semaphore, #tpu.memory_space<semaphore_mem>>
        %dma_start3A_366 = tpu.memref_squeeze %dma_start3A_365 : memref<1x!tpu.dma_semaphore, #tpu.memory_space<semaphore_mem>> -> memref<!tpu.dma_semaphore, #tpu.memory_space<semaphore_mem>>
        tpu.enqueue_indirect_dma source(%dma_start3A_364 : memref<1000000x64xf32, #tpu.memory_space<hbm>>) target(%dma_start3A_360 : memref<128x64xf32, #tpu.memory_space<vmem>>) offsets(%dma_start3A_361 : memref<128xi32, #tpu.memory_space<vmem>>) semaphore(%dma_start3A_366 : memref<!tpu.dma_semaphore, #tpu.memory_space<semaphore_mem>>)
      } else {
      }
      %mul3A_184 = arith.constant 2 : i32
      %mul3A_185 = arith.muli %mul3A_184, %scan3A_88 : i32
      %add3A_186 = arith.constant 1 : i32
      %add3A_187 = arith.addi %mul3A_185, %add3A_186 : i32
      %dma_wait3A_188 = arith.constant 1 : i32
      %dma_wait3A_189 = arith.constant 1 : i32
      %dma_wait3A_190 = arith.constant 0 : i32
      %dma_wait3A_191 = arith.constant 0 : i32
      %dma_wait3A_192 = tpu.memref_slice %arg6[%dma_wait3A_188, %dma_wait3A_190, %dma_wait3A_191] : memref<2x640x64xf32, #tpu.memory_space<vmem>> -> memref<1x128x64xf32, #tpu.memory_space<vmem>>
      %dma_wait3A_193 = tpu.memref_squeeze %dma_wait3A_192 : memref<1x128x64xf32, #tpu.memory_space<vmem>> -> memref<128x64xf32, #tpu.memory_space<vmem>>
      %dma_wait3A_194 = arith.constant 0 : i32
      %dma_wait3A_195 = tpu.memref_slice %arg5[%dma_wait3A_194] : memref<6400xi32, #tpu.memory_space<vmem>> -> memref<128xi32, #tpu.memory_space<vmem>>
      %dma_wait3A_196 = arith.constant 0 : i32
      %dma_wait3A_197 = arith.constant 0 : i32
      %dma_wait3A_198 = tpu.memref_slice %arg3[%dma_wait3A_196, %dma_wait3A_197] : memref<1000000x64xf32, #tpu.memory_space<hbm>> -> memref<1000000x64xf32, #tpu.memory_space<hbm>>
      %dma_wait3A_199 = tpu.memref_slice %arg7[%dma_wait3A_189] : memref<2x!tpu.dma_semaphore, #tpu.memory_space<semaphore_mem>> -> memref<1x!tpu.dma_semaphore, #tpu.memory_space<semaphore_mem>>
      %dma_wait3A_200 = tpu.memref_squeeze %dma_wait3A_199 : memref<1x!tpu.dma_semaphore, #tpu.memory_space<semaphore_mem>> -> memref<!tpu.dma_semaphore, #tpu.memory_space<semaphore_mem>>
      tpu.wait_indirect_dma semaphore(%dma_wait3A_200 : memref<!tpu.dma_semaphore, #tpu.memory_space<semaphore_mem>>) src(%dma_wait3A_198 : memref<1000000x64xf32, #tpu.memory_space<hbm>>) dst(%dma_wait3A_193 : memref<128x64xf32, #tpu.memory_space<vmem>>)
      %dma_wait3A_201 = arith.constant 1 : i32
      %dma_wait3A_202 = arith.constant 1 : i32
      %dma_wait3A_203 = arith.constant 128 : i32
      %dma_wait3A_204 = arith.constant 0 : i32
      %dma_wait3A_205 = tpu.memref_slice %arg6[%dma_wait3A_201, %dma_wait3A_203, %dma_wait3A_204] : memref<2x640x64xf32, #tpu.memory_space<vmem>> -> memref<1x128x64xf32, #tpu.memory_space<vmem>>
      %dma_wait3A_206 = tpu.memref_squeeze %dma_wait3A_205 : memref<1x128x64xf32, #tpu.memory_space<vmem>> -> memref<128x64xf32, #tpu.memory_space<vmem>>
      %dma_wait3A_207 = arith.constant 0 : i32
      %dma_wait3A_208 = tpu.memref_slice %arg5[%dma_wait3A_207] : memref<6400xi32, #tpu.memory_space<vmem>> -> memref<128xi32, #tpu.memory_space<vmem>>
      %dma_wait3A_209 = arith.constant 0 : i32
      %dma_wait3A_210 = arith.constant 0 : i32
      %dma_wait3A_211 = tpu.memref_slice %arg3[%dma_wait3A_209, %dma_wait3A_210] : memref<1000000x64xf32, #tpu.memory_space<hbm>> -> memref<1000000x64xf32, #tpu.memory_space<hbm>>
      %dma_wait3A_212 = tpu.memref_slice %arg7[%dma_wait3A_202] : memref<2x!tpu.dma_semaphore, #tpu.memory_space<semaphore_mem>> -> memref<1x!tpu.dma_semaphore, #tpu.memory_space<semaphore_mem>>
      %dma_wait3A_213 = tpu.memref_squeeze %dma_wait3A_212 : memref<1x!tpu.dma_semaphore, #tpu.memory_space<semaphore_mem>> -> memref<!tpu.dma_semaphore, #tpu.memory_space<semaphore_mem>>
      tpu.wait_indirect_dma semaphore(%dma_wait3A_213 : memref<!tpu.dma_semaphore, #tpu.memory_space<semaphore_mem>>) src(%dma_wait3A_211 : memref<1000000x64xf32, #tpu.memory_space<hbm>>) dst(%dma_wait3A_206 : memref<128x64xf32, #tpu.memory_space<vmem>>)
      %dma_wait3A_214 = arith.constant 1 : i32
      %dma_wait3A_215 = arith.constant 1 : i32
      %dma_wait3A_216 = arith.constant 256 : i32
      %dma_wait3A_217 = arith.constant 0 : i32
      %dma_wait3A_218 = tpu.memref_slice %arg6[%dma_wait3A_214, %dma_wait3A_216, %dma_wait3A_217] : memref<2x640x64xf32, #tpu.memory_space<vmem>> -> memref<1x128x64xf32, #tpu.memory_space<vmem>>
      %dma_wait3A_219 = tpu.memref_squeeze %dma_wait3A_218 : memref<1x128x64xf32, #tpu.memory_space<vmem>> -> memref<128x64xf32, #tpu.memory_space<vmem>>
      %dma_wait3A_220 = arith.constant 0 : i32
      %dma_wait3A_221 = tpu.memref_slice %arg5[%dma_wait3A_220] : memref<6400xi32, #tpu.memory_space<vmem>> -> memref<128xi32, #tpu.memory_space<vmem>>
      %dma_wait3A_222 = arith.constant 0 : i32
      %dma_wait3A_223 = arith.constant 0 : i32
      %dma_wait3A_224 = tpu.memref_slice %arg3[%dma_wait3A_222, %dma_wait3A_223] : memref<1000000x64xf32, #tpu.memory_space<hbm>> -> memref<1000000x64xf32, #tpu.memory_space<hbm>>
      %dma_wait3A_225 = tpu.memref_slice %arg7[%dma_wait3A_215] : memref<2x!tpu.dma_semaphore, #tpu.memory_space<semaphore_mem>> -> memref<1x!tpu.dma_semaphore, #tpu.memory_space<semaphore_mem>>
      %dma_wait3A_226 = tpu.memref_squeeze %dma_wait3A_225 : memref<1x!tpu.dma_semaphore, #tpu.memory_space<semaphore_mem>> -> memref<!tpu.dma_semaphore, #tpu.memory_space<semaphore_mem>>
      tpu.wait_indirect_dma semaphore(%dma_wait3A_226 : memref<!tpu.dma_semaphore, #tpu.memory_space<semaphore_mem>>) src(%dma_wait3A_224 : memref<1000000x64xf32, #tpu.memory_space<hbm>>) dst(%dma_wait3A_219 : memref<128x64xf32, #tpu.memory_space<vmem>>)
      %dma_wait3A_227 = arith.constant 1 : i32
      %dma_wait3A_228 = arith.constant 1 : i32
      %dma_wait3A_229 = arith.constant 384 : i32
      %dma_wait3A_230 = arith.constant 0 : i32
      %dma_wait3A_231 = tpu.memref_slice %arg6[%dma_wait3A_227, %dma_wait3A_229, %dma_wait3A_230] : memref<2x640x64xf32, #tpu.memory_space<vmem>> -> memref<1x128x64xf32, #tpu.memory_space<vmem>>
      %dma_wait3A_232 = tpu.memref_squeeze %dma_wait3A_231 : memref<1x128x64xf32, #tpu.memory_space<vmem>> -> memref<128x64xf32, #tpu.memory_space<vmem>>
      %dma_wait3A_233 = arith.constant 0 : i32
      %dma_wait3A_234 = tpu.memref_slice %arg5[%dma_wait3A_233] : memref<6400xi32, #tpu.memory_space<vmem>> -> memref<128xi32, #tpu.memory_space<vmem>>
      %dma_wait3A_235 = arith.constant 0 : i32
      %dma_wait3A_236 = arith.constant 0 : i32
      %dma_wait3A_237 = tpu.memref_slice %arg3[%dma_wait3A_235, %dma_wait3A_236] : memref<1000000x64xf32, #tpu.memory_space<hbm>> -> memref<1000000x64xf32, #tpu.memory_space<hbm>>
      %dma_wait3A_238 = tpu.memref_slice %arg7[%dma_wait3A_228] : memref<2x!tpu.dma_semaphore, #tpu.memory_space<semaphore_mem>> -> memref<1x!tpu.dma_semaphore, #tpu.memory_space<semaphore_mem>>
      %dma_wait3A_239 = tpu.memref_squeeze %dma_wait3A_238 : memref<1x!tpu.dma_semaphore, #tpu.memory_space<semaphore_mem>> -> memref<!tpu.dma_semaphore, #tpu.memory_space<semaphore_mem>>
      tpu.wait_indirect_dma semaphore(%dma_wait3A_239 : memref<!tpu.dma_semaphore, #tpu.memory_space<semaphore_mem>>) src(%dma_wait3A_237 : memref<1000000x64xf32, #tpu.memory_space<hbm>>) dst(%dma_wait3A_232 : memref<128x64xf32, #tpu.memory_space<vmem>>)
      %dma_wait3A_240 = arith.constant 1 : i32
      %dma_wait3A_241 = arith.constant 1 : i32
      %dma_wait3A_242 = arith.constant 512 : i32
      %dma_wait3A_243 = arith.constant 0 : i32
      %dma_wait3A_244 = tpu.memref_slice %arg6[%dma_wait3A_240, %dma_wait3A_242, %dma_wait3A_243] : memref<2x640x64xf32, #tpu.memory_space<vmem>> -> memref<1x128x64xf32, #tpu.memory_space<vmem>>
      %dma_wait3A_245 = tpu.memref_squeeze %dma_wait3A_244 : memref<1x128x64xf32, #tpu.memory_space<vmem>> -> memref<128x64xf32, #tpu.memory_space<vmem>>
      %dma_wait3A_246 = arith.constant 0 : i32
      %dma_wait3A_247 = tpu.memref_slice %arg5[%dma_wait3A_246] : memref<6400xi32, #tpu.memory_space<vmem>> -> memref<128xi32, #tpu.memory_space<vmem>>
      %dma_wait3A_248 = arith.constant 0 : i32
      %dma_wait3A_249 = arith.constant 0 : i32
      %dma_wait3A_250 = tpu.memref_slice %arg3[%dma_wait3A_248, %dma_wait3A_249] : memref<1000000x64xf32, #tpu.memory_space<hbm>> -> memref<1000000x64xf32, #tpu.memory_space<hbm>>
      %dma_wait3A_251 = tpu.memref_slice %arg7[%dma_wait3A_241] : memref<2x!tpu.dma_semaphore, #tpu.memory_space<semaphore_mem>> -> memref<1x!tpu.dma_semaphore, #tpu.memory_space<semaphore_mem>>
      %dma_wait3A_252 = tpu.memref_squeeze %dma_wait3A_251 : memref<1x!tpu.dma_semaphore, #tpu.memory_space<semaphore_mem>> -> memref<!tpu.dma_semaphore, #tpu.memory_space<semaphore_mem>>
      tpu.wait_indirect_dma semaphore(%dma_wait3A_252 : memref<!tpu.dma_semaphore, #tpu.memory_space<semaphore_mem>>) src(%dma_wait3A_250 : memref<1000000x64xf32, #tpu.memory_space<hbm>>) dst(%dma_wait3A_245 : memref<128x64xf32, #tpu.memory_space<vmem>>)
      %mul3A_253 = arith.constant 640 : i32
      %mul3A_254 = arith.muli %add3A_187, %mul3A_253 : i32
      %add3A_255 = arith.addi %mul3A_2, %mul3A_254 : i32
      %dma_start3A_256 = arith.constant 1 : i32
      %dma_start3A_257 = arith.constant 1 : i32
      %dma_start3A_258 = arith.constant 0 : i32
      %dma_start3A_259 = arith.constant 0 : i32
      %dma_start3A_260 = tpu.memref_slice %arg6[%dma_start3A_256, %dma_start3A_258, %dma_start3A_259] : memref<2x640x64xf32, #tpu.memory_space<vmem>> -> memref<1x640x64xf32, #tpu.memory_space<vmem>>
      %dma_start3A_261 = tpu.memref_squeeze %dma_start3A_260 : memref<1x640x64xf32, #tpu.memory_space<vmem>> -> memref<640x64xf32, #tpu.memory_space<vmem>>
      %dma_start3A_262 = arith.constant 0 : i32
      %dma_start3A_263 = tpu.memref_slice %arg4[%add3A_255, %dma_start3A_262] : memref<204800x64xf32, #tpu.memory_space<hbm>> -> memref<640x64xf32, #tpu.memory_space<hbm>>
      %dma_start3A_264 = tpu.memref_slice %arg8[%dma_start3A_257] : memref<2x!tpu.dma_semaphore, #tpu.memory_space<semaphore_mem>> -> memref<1x!tpu.dma_semaphore, #tpu.memory_space<semaphore_mem>>
      %dma_start3A_265 = tpu.memref_squeeze %dma_start3A_264 : memref<1x!tpu.dma_semaphore, #tpu.memory_space<semaphore_mem>> -> memref<!tpu.dma_semaphore, #tpu.memory_space<semaphore_mem>>
      %dma_start3A_266 = arith.constant 0 : i32
      %dma_start3A_267 = tpu.memref_slice %arg4[%add3A_255, %dma_start3A_266] : memref<204800x64xf32, #tpu.memory_space<hbm>> -> memref<640x64xf32, #tpu.memory_space<hbm>>
      %dma_start3A_268 = arith.constant 0 : i32
      %dma_start3A_269 = arith.constant 0 : i32
      %dma_start3A_270 = tpu.memref_slice %arg6[%dma_start3A_256, %dma_start3A_268, %dma_start3A_269] : memref<2x640x64xf32, #tpu.memory_space<vmem>> -> memref<1x640x64xf32, #tpu.memory_space<vmem>>
      %dma_start3A_271 = tpu.memref_squeeze %dma_start3A_270 : memref<1x640x64xf32, #tpu.memory_space<vmem>> -> memref<640x64xf32, #tpu.memory_space<vmem>>
      tpu.enqueue_dma source(%dma_start3A_271 : memref<640x64xf32, #tpu.memory_space<vmem>>) target(%dma_start3A_267 : memref<640x64xf32, #tpu.memory_space<hbm>>) target_semaphore(%dma_start3A_265 : memref<!tpu.dma_semaphore, #tpu.memory_space<semaphore_mem>>)
      %ge3A_272 = arith.constant 1 : i32
      %ge3A_273 = arith.cmpi sge, %add3A_187, %ge3A_272 : i32
      %convert_element_type3A_274 = arith.extui %ge3A_273 : i1 to i32
      %cond3A_275 = arith.constant 0 : i32
      %cond3A_276 = arith.cmpi ne, %convert_element_type3A_274, %cond3A_275 : i32
      scf.if %cond3A_276 {
        %dma_wait3A_285 = arith.constant 0 : i32
        %dma_wait3A_286 = arith.constant 0 : i32
        %dma_wait3A_287 = arith.constant 0 : i32
        %dma_wait3A_288 = arith.constant 0 : i32
        %dma_wait3A_289 = tpu.memref_slice %arg6[%dma_wait3A_285, %dma_wait3A_287, %dma_wait3A_288] : memref<2x640x64xf32, #tpu.memory_space<vmem>> -> memref<1x640x64xf32, #tpu.memory_space<vmem>>
        %dma_wait3A_290 = tpu.memref_squeeze %dma_wait3A_289 : memref<1x640x64xf32, #tpu.memory_space<vmem>> -> memref<640x64xf32, #tpu.memory_space<vmem>>
        %dma_wait3A_291 = arith.constant 0 : i32
        %dma_wait3A_292 = tpu.memref_slice %arg4[%mul3A_2, %dma_wait3A_291] : memref<204800x64xf32, #tpu.memory_space<hbm>> -> memref<640x64xf32, #tpu.memory_space<hbm>>
        %dma_wait3A_293 = tpu.memref_slice %arg8[%dma_wait3A_286] : memref<2x!tpu.dma_semaphore, #tpu.memory_space<semaphore_mem>> -> memref<1x!tpu.dma_semaphore, #tpu.memory_space<semaphore_mem>>
        %dma_wait3A_294 = tpu.memref_squeeze %dma_wait3A_293 : memref<1x!tpu.dma_semaphore, #tpu.memory_space<semaphore_mem>> -> memref<!tpu.dma_semaphore, #tpu.memory_space<semaphore_mem>>
        %dma_wait3A_295 = arith.constant 0 : i32
        %dma_wait3A_296 = tpu.memref_slice %arg4[%mul3A_2, %dma_wait3A_295] : memref<204800x64xf32, #tpu.memory_space<hbm>> -> memref<640x64xf32, #tpu.memory_space<hbm>>
        %dma_wait3A_297 = arith.constant 0 : i32
        %dma_wait3A_298 = arith.constant 0 : i32
        %dma_wait3A_299 = tpu.memref_slice %arg6[%dma_wait3A_285, %dma_wait3A_297, %dma_wait3A_298] : memref<2x640x64xf32, #tpu.memory_space<vmem>> -> memref<1x640x64xf32, #tpu.memory_space<vmem>>
        %dma_wait3A_300 = tpu.memref_squeeze %dma_wait3A_299 : memref<1x640x64xf32, #tpu.memory_space<vmem>> -> memref<640x64xf32, #tpu.memory_space<vmem>>
        tpu.wait_dma2 semaphore(%dma_wait3A_294 : memref<!tpu.dma_semaphore, #tpu.memory_space<semaphore_mem>>) src(%dma_wait3A_300 : memref<640x64xf32, #tpu.memory_space<vmem>>) dst(%dma_wait3A_296 : memref<640x64xf32, #tpu.memory_space<hbm>>)
      } else {
      }
      %add3A_277 = arith.constant 1 : i32
      %add3A_278 = arith.addi %add3A_187, %add3A_277 : i32
      %lt3A_279 = arith.constant 10 : i32
      %lt3A_280 = arith.cmpi slt, %add3A_278, %lt3A_279 : i32
      %convert_element_type3A_281 = arith.extui %lt3A_280 : i1 to i32
      %cond3A_282 = arith.constant 0 : i32
      %cond3A_283 = arith.cmpi ne, %convert_element_type3A_281, %cond3A_282 : i32
      scf.if %cond3A_283 {
        %add3A_285 = arith.constant 1 : i32
        %add3A_286 = arith.addi %add3A_187, %add3A_285 : i32
        %mul3A_287 = arith.constant 640 : i32
        %mul3A_288 = arith.muli %add3A_286, %mul3A_287 : i32
        %add3A_289 = arith.constant 0 : i32
        %add3A_290 = arith.addi %mul3A_288, %add3A_289 : i32
        %dma_start3A_291 = arith.constant 0 : i32
        %dma_start3A_292 = arith.constant 0 : i32
        %dma_start3A_293 = arith.constant 0 : i32
        %dma_start3A_294 = arith.constant 0 : i32
        %dma_start3A_295 = tpu.memref_slice %arg6[%dma_start3A_291, %dma_start3A_293, %dma_start3A_294] : memref<2x640x64xf32, #tpu.memory_space<vmem>> -> memref<1x128x64xf32, #tpu.memory_space<vmem>>
        %dma_start3A_296 = tpu.memref_squeeze %dma_start3A_295 : memref<1x128x64xf32, #tpu.memory_space<vmem>> -> memref<128x64xf32, #tpu.memory_space<vmem>>
        %dma_start3A_297 = tpu.memref_slice %arg5[%add3A_290] : memref<6400xi32, #tpu.memory_space<vmem>> -> memref<128xi32, #tpu.memory_space<vmem>>
        %dma_start3A_298 = arith.constant 0 : i32
        %dma_start3A_299 = arith.constant 0 : i32
        %dma_start3A_300 = tpu.memref_slice %arg3[%dma_start3A_298, %dma_start3A_299] : memref<1000000x64xf32, #tpu.memory_space<hbm>> -> memref<1000000x64xf32, #tpu.memory_space<hbm>>
        %dma_start3A_301 = tpu.memref_slice %arg7[%dma_start3A_292] : memref<2x!tpu.dma_semaphore, #tpu.memory_space<semaphore_mem>> -> memref<1x!tpu.dma_semaphore, #tpu.memory_space<semaphore_mem>>
        %dma_start3A_302 = tpu.memref_squeeze %dma_start3A_301 : memref<1x!tpu.dma_semaphore, #tpu.memory_space<semaphore_mem>> -> memref<!tpu.dma_semaphore, #tpu.memory_space<semaphore_mem>>
        tpu.enqueue_indirect_dma source(%dma_start3A_300 : memref<1000000x64xf32, #tpu.memory_space<hbm>>) target(%dma_start3A_296 : memref<128x64xf32, #tpu.memory_space<vmem>>) offsets(%dma_start3A_297 : memref<128xi32, #tpu.memory_space<vmem>>) semaphore(%dma_start3A_302 : memref<!tpu.dma_semaphore, #tpu.memory_space<semaphore_mem>>)
        %mul3A_303 = arith.constant 640 : i32
        %mul3A_304 = arith.muli %add3A_286, %mul3A_303 : i32
        %add3A_305 = arith.constant 128 : i32
        %add3A_306 = arith.addi %mul3A_304, %add3A_305 : i32
        %dma_start3A_307 = arith.constant 0 : i32
        %dma_start3A_308 = arith.constant 0 : i32
        %dma_start3A_309 = arith.constant 128 : i32
        %dma_start3A_310 = arith.constant 0 : i32
        %dma_start3A_311 = tpu.memref_slice %arg6[%dma_start3A_307, %dma_start3A_309, %dma_start3A_310] : memref<2x640x64xf32, #tpu.memory_space<vmem>> -> memref<1x128x64xf32, #tpu.memory_space<vmem>>
        %dma_start3A_312 = tpu.memref_squeeze %dma_start3A_311 : memref<1x128x64xf32, #tpu.memory_space<vmem>> -> memref<128x64xf32, #tpu.memory_space<vmem>>
        %dma_start3A_313 = tpu.memref_slice %arg5[%add3A_306] : memref<6400xi32, #tpu.memory_space<vmem>> -> memref<128xi32, #tpu.memory_space<vmem>>
        %dma_start3A_314 = arith.constant 0 : i32
        %dma_start3A_315 = arith.constant 0 : i32
        %dma_start3A_316 = tpu.memref_slice %arg3[%dma_start3A_314, %dma_start3A_315] : memref<1000000x64xf32, #tpu.memory_space<hbm>> -> memref<1000000x64xf32, #tpu.memory_space<hbm>>
        %dma_start3A_317 = tpu.memref_slice %arg7[%dma_start3A_308] : memref<2x!tpu.dma_semaphore, #tpu.memory_space<semaphore_mem>> -> memref<1x!tpu.dma_semaphore, #tpu.memory_space<semaphore_mem>>
        %dma_start3A_318 = tpu.memref_squeeze %dma_start3A_317 : memref<1x!tpu.dma_semaphore, #tpu.memory_space<semaphore_mem>> -> memref<!tpu.dma_semaphore, #tpu.memory_space<semaphore_mem>>
        tpu.enqueue_indirect_dma source(%dma_start3A_316 : memref<1000000x64xf32, #tpu.memory_space<hbm>>) target(%dma_start3A_312 : memref<128x64xf32, #tpu.memory_space<vmem>>) offsets(%dma_start3A_313 : memref<128xi32, #tpu.memory_space<vmem>>) semaphore(%dma_start3A_318 : memref<!tpu.dma_semaphore, #tpu.memory_space<semaphore_mem>>)
        %mul3A_319 = arith.constant 640 : i32
        %mul3A_320 = arith.muli %add3A_286, %mul3A_319 : i32
        %add3A_321 = arith.constant 256 : i32
        %add3A_322 = arith.addi %mul3A_320, %add3A_321 : i32
        %dma_start3A_323 = arith.constant 0 : i32
        %dma_start3A_324 = arith.constant 0 : i32
        %dma_start3A_325 = arith.constant 256 : i32
        %dma_start3A_326 = arith.constant 0 : i32
        %dma_start3A_327 = tpu.memref_slice %arg6[%dma_start3A_323, %dma_start3A_325, %dma_start3A_326] : memref<2x640x64xf32, #tpu.memory_space<vmem>> -> memref<1x128x64xf32, #tpu.memory_space<vmem>>
        %dma_start3A_328 = tpu.memref_squeeze %dma_start3A_327 : memref<1x128x64xf32, #tpu.memory_space<vmem>> -> memref<128x64xf32, #tpu.memory_space<vmem>>
        %dma_start3A_329 = tpu.memref_slice %arg5[%add3A_322] : memref<6400xi32, #tpu.memory_space<vmem>> -> memref<128xi32, #tpu.memory_space<vmem>>
        %dma_start3A_330 = arith.constant 0 : i32
        %dma_start3A_331 = arith.constant 0 : i32
        %dma_start3A_332 = tpu.memref_slice %arg3[%dma_start3A_330, %dma_start3A_331] : memref<1000000x64xf32, #tpu.memory_space<hbm>> -> memref<1000000x64xf32, #tpu.memory_space<hbm>>
        %dma_start3A_333 = tpu.memref_slice %arg7[%dma_start3A_324] : memref<2x!tpu.dma_semaphore, #tpu.memory_space<semaphore_mem>> -> memref<1x!tpu.dma_semaphore, #tpu.memory_space<semaphore_mem>>
        %dma_start3A_334 = tpu.memref_squeeze %dma_start3A_333 : memref<1x!tpu.dma_semaphore, #tpu.memory_space<semaphore_mem>> -> memref<!tpu.dma_semaphore, #tpu.memory_space<semaphore_mem>>
        tpu.enqueue_indirect_dma source(%dma_start3A_332 : memref<1000000x64xf32, #tpu.memory_space<hbm>>) target(%dma_start3A_328 : memref<128x64xf32, #tpu.memory_space<vmem>>) offsets(%dma_start3A_329 : memref<128xi32, #tpu.memory_space<vmem>>) semaphore(%dma_start3A_334 : memref<!tpu.dma_semaphore, #tpu.memory_space<semaphore_mem>>)
        %mul3A_335 = arith.constant 640 : i32
        %mul3A_336 = arith.muli %add3A_286, %mul3A_335 : i32
        %add3A_337 = arith.constant 384 : i32
        %add3A_338 = arith.addi %mul3A_336, %add3A_337 : i32
        %dma_start3A_339 = arith.constant 0 : i32
        %dma_start3A_340 = arith.constant 0 : i32
        %dma_start3A_341 = arith.constant 384 : i32
        %dma_start3A_342 = arith.constant 0 : i32
        %dma_start3A_343 = tpu.memref_slice %arg6[%dma_start3A_339, %dma_start3A_341, %dma_start3A_342] : memref<2x640x64xf32, #tpu.memory_space<vmem>> -> memref<1x128x64xf32, #tpu.memory_space<vmem>>
        %dma_start3A_344 = tpu.memref_squeeze %dma_start3A_343 : memref<1x128x64xf32, #tpu.memory_space<vmem>> -> memref<128x64xf32, #tpu.memory_space<vmem>>
        %dma_start3A_345 = tpu.memref_slice %arg5[%add3A_338] : memref<6400xi32, #tpu.memory_space<vmem>> -> memref<128xi32, #tpu.memory_space<vmem>>
        %dma_start3A_346 = arith.constant 0 : i32
        %dma_start3A_347 = arith.constant 0 : i32
        %dma_start3A_348 = tpu.memref_slice %arg3[%dma_start3A_346, %dma_start3A_347] : memref<1000000x64xf32, #tpu.memory_space<hbm>> -> memref<1000000x64xf32, #tpu.memory_space<hbm>>
        %dma_start3A_349 = tpu.memref_slice %arg7[%dma_start3A_340] : memref<2x!tpu.dma_semaphore, #tpu.memory_space<semaphore_mem>> -> memref<1x!tpu.dma_semaphore, #tpu.memory_space<semaphore_mem>>
        %dma_start3A_350 = tpu.memref_squeeze %dma_start3A_349 : memref<1x!tpu.dma_semaphore, #tpu.memory_space<semaphore_mem>> -> memref<!tpu.dma_semaphore, #tpu.memory_space<semaphore_mem>>
        tpu.enqueue_indirect_dma source(%dma_start3A_348 : memref<1000000x64xf32, #tpu.memory_space<hbm>>) target(%dma_start3A_344 : memref<128x64xf32, #tpu.memory_space<vmem>>) offsets(%dma_start3A_345 : memref<128xi32, #tpu.memory_space<vmem>>) semaphore(%dma_start3A_350 : memref<!tpu.dma_semaphore, #tpu.memory_space<semaphore_mem>>)
        %mul3A_351 = arith.constant 640 : i32
        %mul3A_352 = arith.muli %add3A_286, %mul3A_351 : i32
        %add3A_353 = arith.constant 512 : i32
        %add3A_354 = arith.addi %mul3A_352, %add3A_353 : i32
        %dma_start3A_355 = arith.constant 0 : i32
        %dma_start3A_356 = arith.constant 0 : i32
        %dma_start3A_357 = arith.constant 512 : i32
        %dma_start3A_358 = arith.constant 0 : i32
        %dma_start3A_359 = tpu.memref_slice %arg6[%dma_start3A_355, %dma_start3A_357, %dma_start3A_358] : memref<2x640x64xf32, #tpu.memory_space<vmem>> -> memref<1x128x64xf32, #tpu.memory_space<vmem>>
        %dma_start3A_360 = tpu.memref_squeeze %dma_start3A_359 : memref<1x128x64xf32, #tpu.memory_space<vmem>> -> memref<128x64xf32, #tpu.memory_space<vmem>>
        %dma_start3A_361 = tpu.memref_slice %arg5[%add3A_354] : memref<6400xi32, #tpu.memory_space<vmem>> -> memref<128xi32, #tpu.memory_space<vmem>>
        %dma_start3A_362 = arith.constant 0 : i32
        %dma_start3A_363 = arith.constant 0 : i32
        %dma_start3A_364 = tpu.memref_slice %arg3[%dma_start3A_362, %dma_start3A_363] : memref<1000000x64xf32, #tpu.memory_space<hbm>> -> memref<1000000x64xf32, #tpu.memory_space<hbm>>
        %dma_start3A_365 = tpu.memref_slice %arg7[%dma_start3A_356] : memref<2x!tpu.dma_semaphore, #tpu.memory_space<semaphore_mem>> -> memref<1x!tpu.dma_semaphore, #tpu.memory_space<semaphore_mem>>
        %dma_start3A_366 = tpu.memref_squeeze %dma_start3A_365 : memref<1x!tpu.dma_semaphore, #tpu.memory_space<semaphore_mem>> -> memref<!tpu.dma_semaphore, #tpu.memory_space<semaphore_mem>>
        tpu.enqueue_indirect_dma source(%dma_start3A_364 : memref<1000000x64xf32, #tpu.memory_space<hbm>>) target(%dma_start3A_360 : memref<128x64xf32, #tpu.memory_space<vmem>>) offsets(%dma_start3A_361 : memref<128xi32, #tpu.memory_space<vmem>>) semaphore(%dma_start3A_366 : memref<!tpu.dma_semaphore, #tpu.memory_space<semaphore_mem>>)
      } else {
      }
      %scan3A_284 = arith.constant 0 : i32
      scf.yield %scan3A_284 : i32
    }
    %scan3A_72 = arith.constant 5 : i32
    %dma_wait3A = arith.constant 1 : i32
    %dma_wait3A_73 = arith.constant 1 : i32
    %dma_wait3A_74 = arith.constant 0 : i32
    %dma_wait3A_75 = arith.constant 0 : i32
    %dma_wait3A_76 = tpu.memref_slice %arg6[%dma_wait3A, %dma_wait3A_74, %dma_wait3A_75] : memref<2x640x64xf32, #tpu.memory_space<vmem>> -> memref<1x640x64xf32, #tpu.memory_space<vmem>>
    %dma_wait3A_77 = tpu.memref_squeeze %dma_wait3A_76 : memref<1x640x64xf32, #tpu.memory_space<vmem>> -> memref<640x64xf32, #tpu.memory_space<vmem>>
    %dma_wait3A_78 = arith.constant 0 : i32
    %dma_wait3A_79 = tpu.memref_slice %arg4[%mul3A_2, %dma_wait3A_78] : memref<204800x64xf32, #tpu.memory_space<hbm>> -> memref<640x64xf32, #tpu.memory_space<hbm>>
    %dma_wait3A_80 = tpu.memref_slice %arg8[%dma_wait3A_73] : memref<2x!tpu.dma_semaphore, #tpu.memory_space<semaphore_mem>> -> memref<1x!tpu.dma_semaphore, #tpu.memory_space<semaphore_mem>>
    %dma_wait3A_81 = tpu.memref_squeeze %dma_wait3A_80 : memref<1x!tpu.dma_semaphore, #tpu.memory_space<semaphore_mem>> -> memref<!tpu.dma_semaphore, #tpu.memory_space<semaphore_mem>>
    %dma_wait3A_82 = arith.constant 0 : i32
    %dma_wait3A_83 = tpu.memref_slice %arg4[%mul3A_2, %dma_wait3A_82] : memref<204800x64xf32, #tpu.memory_space<hbm>> -> memref<640x64xf32, #tpu.memory_space<hbm>>
    %dma_wait3A_84 = arith.constant 0 : i32
    %dma_wait3A_85 = arith.constant 0 : i32
    %dma_wait3A_86 = tpu.memref_slice %arg6[%dma_wait3A, %dma_wait3A_84, %dma_wait3A_85] : memref<2x640x64xf32, #tpu.memory_space<vmem>> -> memref<1x640x64xf32, #tpu.memory_space<vmem>>
    %dma_wait3A_87 = tpu.memref_squeeze %dma_wait3A_86 : memref<1x640x64xf32, #tpu.memory_space<vmem>> -> memref<640x64xf32, #tpu.memory_space<vmem>>
    tpu.wait_dma2 semaphore(%dma_wait3A_81 : memref<!tpu.dma_semaphore, #tpu.memory_space<semaphore_mem>>) src(%dma_wait3A_87 : memref<640x64xf32, #tpu.memory_space<vmem>>) dst(%dma_wait3A_83 : memref<640x64xf32, #tpu.memory_space<hbm>>)
    return
  }
}

</mosaic_0001>

<sc_bundles>
// kernel: _emb.3.cloned.1.call-start
scs
__scs_entry_jumppad:
0x0: {  	(pc) =	sbr.rel $0x88, $3  }
0x1: {  	(tag) =	ssettag $0x0;
	lr =	simm.s32 $0x1  }
0x2: {  	[smem:$0x3F9F] =	sst lr;
	_ =	strace $0xD0000000  }
0x3: {  	_ = 	snop  }
0x4: {  	_ = 	snop  }
0x5: {  	_ = 	snop  }
0x6: {  	_ = 	snop  }
0x7: {  	_ = 	snop  }
__scs_overlays_trampoline_lowered:
0x8: {  	[smem:$0x3FAE] =	sst s0  }
0x9: {  	[smem:$0x3FAF] =	sst s1  }
0xa: {  	[smem:$0x3FB0] =	sst s2  }
0xb: {  	[smem:$0x3FB1] =	sst s3  }
0xc: {  	[smem:$0x3FB2] =	sst s4  }
0xd: {  	[smem:$0x3FB3] =	sst s5  }
0xe: {  	[smem:$0x3FB4] =	sst s6  }
0xf: {  	[smem:$0x3FB5] =	sst s7  }
0x10: {  	[smem:$0x3FB6] =	sst s8  }
0x11: {  	[smem:$0x3FB7] =	sst s9;
	s0 =	simm.s32 @!p0 $0x0  }
0x12: {  	s1 =	sld [smem:$0x3F9D];
	s0 =	simm.s32 @p0 $0x1  }
0x13: {  	[smem:$0x3FB8] =	sst s0;
	s0 =	simm.s32 @!p1 $0x0  }
0x14: {  	s2 =	sld [smem:$0x3F9C];
	s0 =	simm.s32 @p1 $0x1  }
0x15: {  	[smem:$0x3FB9] =	sst s0;
	s0 =	simm.s32 @!p2 $0x0  }
0x16: {  	s3 =	sld [smem:$0x3FDB];
	s0 =	simm.s32 @p2 $0x1  }
0x17: {  	s4 =	simm.s32 $0x1BF5;
	[smem:$0x3FBB] =	sst s0  }
0x18: {  	s0 =	sld [smem:$0x3F9E];
	_ =	swait.ge [sflag:s4], $0x0  }
0x19: {  	s7 =	sld [smem:$0x3F9F]  }
0x1a: {  	s8 =	sadd.s32 $0xFFFFE003, lr  }
0x1b: {  	s9 =	sadd.s32 $0xFFFFFEF7, lr;
	s5 =	simm.s32 $0xFFFFFFFF;
	p2 =	slt.u32 s8, $0xFFFFF086  }
0x1c: {  	p1 =	slt.u32 s9, $0xF7A;
	s5 =	simm.s32 @!p2 $0x0  }
0x1d: {  	s5 =	simm.s32 @p1 $0x1;
	p0 =	seq.s32 s7, s2  }
0x1e: {  	s7 =	smul.u32 @!p0 $0xF7A, s2;
	p2 =	seq.s32 @!p0 s5, $0x0  }
0x1f: {  	s9 =	smul.u32 $0xF7A, s1;
	s8 =	simm.s32 @!p0 $0x1BF5;
	p2 =	por !p2, p0  }
0x20: {  	[sflag:s8] =	ssyncset.s32 @!p0 $0xFFFFF086;
	s6 =	sadd.s32 @!p0 s3, s7;
	s7 =	simm.s32 @!p0 $0x108  }
0x21: {  	s3 =	sadd.s32 s3, s9;
	s6 =	sadd.s32 @!p0 $0x88, s6;
	s7 =	simm.s32 @p2 $0x1082  }
0x22: {  	[simem:s7], [sflag:s8] =	dma.local @!p0 [hbm:s6], $0xF7A  }
0x23: {  	s9 =	sor.u32 $0xD0000000, s2;
	s6 =	simm.s32 $0x108;
	_ =	swait.ge @!p0 [sflag:s8], $0x0  }
0x24: {  	s3 =	sadd.s32 $0x88, s3;
	s6 =	simm.s32 @!p1 $0x1082;
	[sflag:s4] =	ssyncset.s32 $0xFFFFF086  }
0x25: {  	[simem:s6], [sflag:s4] =	dma.local [hbm:s3], $0xF7A  }
0x26: {  	[smem:$0x3F9F] =	sst s1;
	(tag) =	ssettag s2;
	_ =	strace s9  }
0x27: {  	s1 =	sld [smem:$0x3FAF]  }
0x28: {  	s2 =	sld [smem:$0x3FB0]  }
0x29: {  	s4 =	sld [smem:$0x3FB2]  }
0x2a: {  	p0 =	seq.s32 s5, $0x0;
	s5 =	sld [smem:$0x3FB3]  }
0x2b: {  	s6 =	sld [smem:$0x3FB4]  }
0x2c: {  	s7 =	sld [smem:$0x3FB5]  }
0x2d: {  	s3 =	simm.s32 $0x108;
	s8 =	sld [smem:$0x3FB6]  }
0x2e: {  	s3 =	simm.s32 @!p0 $0x1082;
	s9 =	sld [smem:$0x3FB7]  }
0x2f: {  	lr =	sadd.s32 s0, s3;
	s0 =	sld [smem:$0x3FAE]  }
0x30: {  	s3 =	sld [smem:$0x3FB1]  }
0x31: {  	[smem:$0x3FBA] =	sst s10  }
0x32: {  	s10 =	sld [smem:$0x3FB8];
	_ =	sdelay $0x3  }
0x33: {  	p0 =	seq.s32 s10, $0x1;
	s10 =	sld [smem:$0x3FBA];
	_ =	sdelay $0x3  }
0x34: {  	[smem:$0x3FBA] =	sst s10  }
0x35: {  	s10 =	sld [smem:$0x3FB9];
	_ =	sdelay $0x3  }
0x36: {  	p1 =	seq.s32 s10, $0x1;
	s10 =	sld [smem:$0x3FBA];
	_ =	sdelay $0x3  }
0x37: {  	[smem:$0x3FBA] =	sst s10  }
0x38: {  	s10 =	sld [smem:$0x3FBB]  }
0x39: {  	_ = 	snop;
	(pc) =	sbr.ind lr, $3  }
0x3a: {  	_ = 	snop  }
0x3b: {  	_ = 	snop  }
0x3c: {  	p2 =	seq.s32 s10, $0x1;
	s10 =	sld [smem:$0x3FBA]  }
0x3d: {  	_ =	shalt  }
0x3e: {  	_ =	shalt  }
0x3f: {  	_ =	shalt  }
0x40: {  	_ =	shalt  }
0x41: {  	_ =	shalt  }
0x42: {  	_ =	shalt  }
0x43: {  	_ =	shalt  }
0x44: {  	_ =	shalt  }
0x45: {  	_ =	shalt  }
0x46: {  	_ =	shalt  }
0x47: {  	_ =	shalt  }
0x48: {  	_ =	shalt  }
0x49: {  	_ =	shalt  }
0x4a: {  	_ =	shalt  }
0x4b: {  	_ =	shalt  }
0x4c: {  	_ =	shalt  }
0x4d: {  	_ =	shalt  }
0x4e: {  	_ =	shalt  }
0x4f: {  	_ =	shalt  }
0x50: {  	_ =	shalt  }
0x51: {  	_ =	shalt  }
0x52: {  	_ =	shalt  }
0x53: {  	_ =	shalt  }
0x54: {  	_ =	shalt  }
0x55: {  	_ =	shalt  }
0x56: {  	_ =	shalt  }
0x57: {  	_ =	shalt  }
0x58: {  	_ =	shalt  }
0x59: {  	_ =	shalt  }
0x5a: {  	_ =	shalt  }
0x5b: {  	_ =	shalt  }
0x5c: {  	_ =	shalt  }
0x5d: {  	_ =	shalt  }
0x5e: {  	_ =	shalt  }
0x5f: {  	_ =	shalt  }
0x60: {  	_ =	shalt  }
0x61: {  	_ =	shalt  }
0x62: {  	_ =	shalt  }
0x63: {  	_ =	shalt  }
0x64: {  	_ =	shalt  }
0x65: {  	_ =	shalt  }
0x66: {  	_ =	shalt  }
0x67: {  	_ =	shalt  }
0x68: {  	_ =	shalt  }
0x69: {  	_ =	shalt  }
0x6a: {  	_ =	shalt  }
0x6b: {  	_ =	shalt  }
0x6c: {  	_ =	shalt  }
0x6d: {  	_ =	shalt  }
0x6e: {  	_ =	shalt  }
0x6f: {  	_ =	shalt  }
0x70: {  	_ =	shalt  }
0x71: {  	_ =	shalt  }
0x72: {  	_ =	shalt  }
0x73: {  	_ =	shalt  }
0x74: {  	_ =	shalt  }
0x75: {  	_ =	shalt  }
0x76: {  	_ =	shalt  }
0x77: {  	_ =	shalt  }
0x78: {  	_ =	shalt  }
0x79: {  	_ =	shalt  }
0x7a: {  	_ =	shalt  }
0x7b: {  	_ =	shalt  }
0x7c: {  	_ =	shalt  }
0x7d: {  	_ =	shalt  }
0x7e: {  	_ =	shalt  }
0x7f: {  	_ =	shalt  }
0x80: {  	_ =	shalt  }
0x81: {  	_ =	shalt  }
0x82: {  	_ =	shalt  }
0x83: {  	_ =	shalt  }
0x84: {  	_ =	shalt  }
0x85: {  	_ =	shalt  }
0x86: {  	_ =	shalt  }
0x87: {  	_ =	shalt  }
.Lfunc_end0:
.L_simem_size_0:
called_computation.1_lowered:
.L_overlay_start_0:
0x88: {  	s2 =	sld [smem:$0x3FD9]  }
0x89: {  	s3 =	sld [smem:$0x3FFE];
	_ =	sdelay $0x1  }
0x8a: {  	s1 =	srdreg.scid  }
0x8b: {  	s0 =	sand.u32 $0x1, s1  }
0x8c: {  	s17 =	sshll.u32 s0, $0xA;
	s2 =	sadd.s32 s3, s2  }
0x8d: {  	s2 =	sadd.s32 s2, s17  }
0x8e: {  	[smem:$0x3FC6] =	sst s2  }
0x8f: {  	_ = 	snop  }
0x90: {  	s2 =	sld [smem:$0x3FD0];
	(tm) =	ssettm $0x1  }
0x91: {  	s18 =	sld [smem:$0x3FFB];
	_ =	sdelay $0x3  }
0x92: {  	_ =	strace s18  }
0x93: {  	s3 =	sld [smem:$0x3FFC];
	_ =	sdelay $0x3  }
0x94: {  	_ =	strace s3  }
0x95: {  	s3 =	sld [smem:$0x3FFD];
	_ =	sdelay $0x3  }
0x96: {  	_ =	strace s3  }
0x97: {  	_ =	strace $0x8FFFFFFF  }
0x98: {  	s19 =	sld [smem:$0x3FDB];
	_ =	sdelay $0x1  }
0x99: {  	s4 =	simm.s32 $_scs_section_size  }
0x9a: {  	s5 =	simm.s32 $_size__tile_overlayer_lowered;
	s6 =	simm.s32 $_tile_overlayer_lowered  }
0x9b: {  	s22 =	simm.s32 $0x1BFF;
	s21 =	sshll.u32 s6, $0x1;
	s3 =	sadd.s32 s4, s19  }
0x9c: {  	s7 =	simm.s32 $0x0;
	s20 =	sshll.u32 s5, $0x1;
	s5 =	sadd.s32 s21, s3  }
0x9d: {  	[timem:s7], [sflag:s22] =	dma.local [hbm:s5], s20  }
0x9e: {  	_ =	swait.ge [sflag:s22], s20  }
0x9f: {  	s4 =	ssub.s32 $0x0, s20;
	[sflag:s22] =	ssyncset.done $0x0  }
0xa0: {  	[sflag:s22] =	ssyncadd.s32 s4;
	_ =	sdelay $0x1  }
0xa1: {  	s23 =	simm.s32 $0x1B8B  }
0xa2: {  	_ =	swait.ge [sflag:s23], $0x1  }
0xa3: {  	[sflag:s23] =	ssyncset.done $0x0  }
0xa4: {  	s25 =	simm.s32 $0x1B8E;
	s24 =	sld [smem:$0x3FFE];
	[sflag:s23] =	ssyncadd.s32 $0xFFFFFFFF  }
0xa5: {  	s26 =	simm.s32 $execute0_lowered;
	[smem:$0x3FD2] =	sst s25  }
0xa6: {  	s5 =	sshll.u32 s26, $0x1;
	_ =	strace $0x80000046;
	[dreg:$0x1] =	wrdreg $0xFFFFFFFF  }
0xa7: {  	s28 =	simm.s32 $_size_execute0_lowered;
	s3 =	sadd.s32 s3, s5;
	[dreg:$0x0] =	wrdreg $0x0  }
0xa8: {  	s5 =	sshll.u32 s28, $0x1;
	[dreg:$0x2] =	wrdreg s3  }
0xa9: {  	[dreg:$0x3] =	wrdreg s5  }
0xaa: {  	[dreg:$0x4] =	wrdreg $0xC0  }
0xab: {  	_ =	task [dreg:s7], $0x5FFFF  }
0xac: {  	[dreg:$0x1] =	wrdreg $0xFFFFFFFF  }
0xad: {  	[dreg:$0x0] =	wrdreg $0x60  }
0xae: {  	[dreg:$0x2] =	wrdreg s24  }
0xaf: {  	[dreg:$0x3] =	wrdreg s2  }
0xb0: {  	[dreg:$0x4] =	wrdreg $0x9  }
0xb1: {  	_ =	task.clear_ibuf [dreg:s7], $0x5FFFF;
	_ =	strace $0x90000046  }
0xb2: {  	s29 =	simm.s32 $0x9;
	_ =	strace $0x80000048  }
0xb3: {  	_ =	swait.ge [sflag:s29], $0x1  }
0xb4: {  	[sflag:s29] =	ssyncadd.s32 $0xFFFFFFFF  }
0xb5: {  	_ =	strace $0x90000048  }
0xb6: {  	_ =	sfence  }
0xb7: {  	s30 =	sld [smem:$0x0];
	_ =	sdelay $0x2  }
0xb8: {  	s31 =	sshll.u32 s1, $0xD;
	s1 =	sshrl.u32 s1, $0x2  }
0xb9: {  	s3 =	sand.u32 $0x4000, s31;
	s1 =	sadd.s32 s1, s30  }
0xba: {  	s0 =	sor.u32 s3, s0;
	s1 =	sshll.u32 s1, $0x11  }
0xbb: {  	s0 =	sor.u32 s1, s0  }
0xbc: {  	s0 =	sadd.s32 $0x8F2B, s0  }
0xbd: {  	[sflag:s0] =	ssyncadd.remote.s32 $0x1  }
0xbe: {  	_ =	sfence.sel $0xFFFF  }
0xbf: {  	[dreg:$0x0] =	wrdreg $0xFFFFFFFF;
	(pc) =	sbr.abs _section_cstart, $3  }
0xc0: {  	[dreg:$0x1] =	wrdreg $0xFFFFFFFF  }
0xc1: {  	_ =	task.clear_ibuf [dreg:s7], $0x2FFFF;
	_ =	strace $0x9FFFFFFF  }
0xc2: {  	(tm) =	ssettm $0x7FFFFFFF  }
0xc3: {  	_ =	shalt  }
tec
execute0_lowered:
.L_overlay_start_1:
0x0: {  	(tag) =	ssettag $0x1  }
0x1: {  	s0 =	rddreg [dreg:$0x0];
	s1 =	srdreg.scid  }
0x2: {  	s11 =	stileid.u32;
	s7 =	rddreg [dreg:$0x1]  }
0x3: {  	s2 =	simm.s32 $0x0;
	s12 =	simm.s32 $0x1900;
	s13 =	simm.s32 $0x3900  }
0x4: {  	s15 =	simm.s32 $0x5900;
	s17 =	simm.s32 $0x7900;
	s19 =	simm.s32 $0x9900  }
0x5: {  	s29 =	simm.s32 $0x11900;
	s31 =	simm.s32 $0x13900;
	s5 =	smul.u32 $0x3200, s11  }
0x6: {  	s28 =	simm.s32 $0x0;
	s1 =	sand.u32 $0x1, s1;
	s23 =	smul.u32 $0x19000, s11  }
0x7: {  	s3 =	sshll.u32 s11, $0x1;
	[smem:$0x7FF] =	sst s2;
	s10 =	smul.u32 $0x1900, s1  }
0x8: {  	s3 =	sor.u32 s1, s3;
	s21 =	ssub.s32 $0x2, s1;
	s1 =	smul.u32 $0xC800, s1  }
0x9: {  	s11 =	simm.s32 $0x80;
	_ =	strace $0x80000047;
	s4 =	smul.u32 $0x1900, s3  }
0xa: {  	s6 =	smul.u32 $0xC800, s3;
	s9 =	sshrl.u32 s21, $0x1;
	s3 =	sadd.s32 $0xF42E00, s0  }
0xb: {  	s26 =	sadd.s32 s23, s7;
	s23 =	simm.s32 $0x700;
	s22 =	ssub.s32 s21, s9  }
0xc: {  	s24 =	sadd.s32 s10, s5;
	s1 =	sadd.s32 s1, s26;
	s10 =	simm.s32 $0x5  }
0xd: {  	s26 =	simm.s32 $0xF900;
	s20 =	sshrl.u32 s4, $0x3;
	s5 =	smax.u32 s22, $0x1  }
.Ltmp0:
0xe: {  	s25 =	sshll.u32 s24, $0x3;
	s6 =	sadd.s32 s7, s6;
	(pc) =	sbr.rel .LBB2_1-.Ltmp0, $4  }
0xf: {  	s30 =	sadd.s32 $0x2800, s1;
	s22 =	simm.s32 $0xB900;
	s24 =	simm.s32 $0xD900  }
0x10: {  	s1 =	simm.s32 $0x2;
	s8 =	sadd.s32 s20, s0;
	s0 =	sadd.s32 s7, s25  }
0x11: {  	s7 =	sadd.s32 $0x1400, s6;
	s20 =	simm.s32 $0x1;
	s25 =	simm.s32 $0x4  }
0x12: {  	s4 =	sadd.s32 $0xA00, s8;
	s14 =	sadd.s32 $0x3C00, s0;
	s0 =	simm.s32 $0x3  }
.LBB2_4:
0x13: {  	s28 =	sadd.s32 $0x1, s28  }
0x14: {  	p0 =	sne.s32 s28, s5  }
.Ltmp1:
0x15: {  	_ = 	snop;
	(pc) =	sbr.rel @!p0 .LBB2_5-.Ltmp1, $4  }
0x16: {  	_ = 	snop  }
0x17: {  	_ =	swait.ge [sflag:s25], $0xA000  }
0x18: {  	[sflag:s25] =	ssyncset.done $0x0  }
0x19: {  	[sflag:s25] =	ssyncadd.s32 $0xFFFF6000  }
.LBB2_1:
0x1a: {  	[tilespmem:s2], [sflag:$0x5] =	stream.linear.gather [hbm4b:s4+s2], $0x1900, $0x38;
	[tilespmem:$0x15900] =	vst v63  }
0x1b: {  	_ =	swait.ge [sflag:s10], $0x1900  }
0x1c: {  	[sflag:s10] =	ssyncset.done $0x0  }
0x1d: {  	[sflag:s10] =	ssyncadd.s32 $0xFFFFE700  }
0x1e: {  	[tilespmem:s12], [sflag:$0x1] =	stream.indirect.gather [hbm4b:s3+s11], $0x40, s2, s11, $0xb8;
	[tilespmem:$0x15900] =	vst v63  }
0x1f: {  	_ = 	snop  }
0x20: {  	[tilespmem:s13], [sflag:$0x1] =	stream.indirect.gather [hbm4b:s3+s11], $0x40, s11, s11, $0xb8;
	[tilespmem:$0x15900] =	vst v63  }
0x21: {  	s8 =	simm.s32 $0x100  }
0x22: {  	[tilespmem:s15], [sflag:$0x1] =	stream.indirect.gather [hbm4b:s3+s11], $0x40, s8, s11, $0xb8;
	[tilespmem:$0x15900] =	vst v63  }
0x23: {  	s16 =	simm.s32 $0x180  }
0x24: {  	[tilespmem:s17], [sflag:$0x1] =	stream.indirect.gather [hbm4b:s3+s11], $0x40, s16, s11, $0xb8;
	[tilespmem:$0x15900] =	vst v63  }
0x25: {  	s18 =	simm.s32 $0x200  }
0x26: {  	[tilespmem:s19], [sflag:$0x1] =	stream.indirect.gather [hbm4b:s3+s11], $0x40, s18, s11, $0xb8;
	[tilespmem:$0x15900] =	vst v63  }
0x27: {  	_ =	swait.ge [sflag:s20], $0x2000  }
0x28: {  	[sflag:s20] =	ssyncset.done $0x0  }
0x29: {  	[sflag:s20] =	ssyncadd.s32 $0xFFFFE000  }
0x2a: {  	_ =	swait.ge [sflag:s20], $0x2000  }
0x2b: {  	[sflag:s20] =	ssyncset.done $0x0  }
0x2c: {  	[sflag:s20] =	ssyncadd.s32 $0xFFFFE000  }
0x2d: {  	_ =	swait.ge [sflag:s20], $0x2000  }
0x2e: {  	[sflag:s20] =	ssyncset.done $0x0  }
0x2f: {  	[sflag:s20] =	ssyncadd.s32 $0xFFFFE000  }
0x30: {  	_ =	swait.ge [sflag:s20], $0x2000  }
0x31: {  	[sflag:s20] =	ssyncset.done $0x0  }
0x32: {  	[sflag:s20] =	ssyncadd.s32 $0xFFFFE000  }
0x33: {  	_ =	swait.ge [sflag:s20], $0x2000  }
0x34: {  	[sflag:s20] =	ssyncset.done $0x0  }
0x35: {  	[sflag:s20] =	ssyncadd.s32 $0xFFFFE000  }
0x36: {  	[hbm4b:s6+s2] =	stream.linear.scatter [tilespmem:s12], [sflag:$0x3], $0xA000, $0x38;
	[tilespmem:$0x15900] =	vst v63  }
0x37: {  	s21 =	simm.s32 $0x280  }
0x38: {  	[tilespmem:s22], [sflag:$0x2] =	stream.indirect.gather [hbm4b:s3+s11], $0x40, s21, s11, $0xb8;
	[tilespmem:$0x15900] =	vst v63  }
0x39: {  	s9 =	simm.s32 $0x300  }
0x3a: {  	[tilespmem:s24], [sflag:$0x2] =	stream.indirect.gather [hbm4b:s3+s11], $0x40, s9, s11, $0xb8;
	[tilespmem:$0x15900] =	vst v63  }
0x3b: {  	s16 =	simm.s32 $0x380  }
0x3c: {  	[tilespmem:s26], [sflag:$0x2] =	stream.indirect.gather [hbm4b:s3+s11], $0x40, s16, s11, $0xb8;
	[tilespmem:$0x15900] =	vst v63  }
0x3d: {  	s18 =	simm.s32 $0x400  }
0x3e: {  	[tilespmem:s29], [sflag:$0x2] =	stream.indirect.gather [hbm4b:s3+s11], $0x40, s18, s11, $0xb8;
	[tilespmem:$0x15900] =	vst v63  }
0x3f: {  	s21 =	simm.s32 $0x480  }
0x40: {  	[tilespmem:s31], [sflag:$0x2] =	stream.indirect.gather [hbm4b:s3+s11], $0x40, s21, s11, $0xb8;
	[tilespmem:$0x15900] =	vst v63  }
0x41: {  	_ =	swait.ge [sflag:s1], $0x2000  }
0x42: {  	[sflag:s1] =	ssyncset.done $0x0  }
0x43: {  	[sflag:s1] =	ssyncadd.s32 $0xFFFFE000  }
0x44: {  	_ =	swait.ge [sflag:s1], $0x2000  }
0x45: {  	[sflag:s1] =	ssyncset.done $0x0  }
0x46: {  	[sflag:s1] =	ssyncadd.s32 $0xFFFFE000  }
0x47: {  	_ =	swait.ge [sflag:s1], $0x2000  }
0x48: {  	[sflag:s1] =	ssyncset.done $0x0  }
0x49: {  	[sflag:s1] =	ssyncadd.s32 $0xFFFFE000  }
0x4a: {  	_ =	swait.ge [sflag:s1], $0x2000  }
0x4b: {  	[sflag:s1] =	ssyncset.done $0x0  }
0x4c: {  	[sflag:s1] =	ssyncadd.s32 $0xFFFFE000  }
0x4d: {  	_ =	swait.ge [sflag:s1], $0x2000  }
0x4e: {  	[sflag:s1] =	ssyncset.done $0x0  }
0x4f: {  	[sflag:s1] =	ssyncadd.s32 $0xFFFFE000  }
0x50: {  	[hbm4b:s7+s2] =	stream.linear.scatter [tilespmem:s22], [sflag:$0x4], $0xA000, $0x38;
	[tilespmem:$0x15900] =	vst v63  }
0x51: {  	_ =	swait.ge [sflag:s0], $0xA000  }
0x52: {  	[sflag:s0] =	ssyncset.done $0x0  }
0x53: {  	s9 =	simm.s32 $0x500;
	[sflag:s0] =	ssyncadd.s32 $0xFFFF6000  }
0x54: {  	[tilespmem:s12], [sflag:$0x1] =	stream.indirect.gather [hbm4b:s3+s11], $0x40, s9, s11, $0xb8;
	[tilespmem:$0x15900] =	vst v63  }
0x55: {  	s16 =	simm.s32 $0x580  }
0x56: {  	[tilespmem:s13], [sflag:$0x1] =	stream.indirect.gather [hbm4b:s3+s11], $0x40, s16, s11, $0xb8;
	[tilespmem:$0x15900] =	vst v63  }
0x57: {  	s18 =	simm.s32 $0x600  }
0x58: {  	[tilespmem:s15], [sflag:$0x1] =	stream.indirect.gather [hbm4b:s3+s11], $0x40, s18, s11, $0xb8;
	[tilespmem:$0x15900] =	vst v63  }
0x59: {  	s21 =	simm.s32 $0x680  }
0x5a: {  	[tilespmem:s17], [sflag:$0x1] =	stream.indirect.gather [hbm4b:s3+s11], $0x40, s21, s11, $0xb8;
	[tilespmem:$0x15900] =	vst v63  }
0x5b: {  	s8 =	smov.u32 s14;
	s9 =	smov.u32 s30;
	s16 =	simm.s32 $0x0  }
0x5c: {  	[tilespmem:s19], [sflag:$0x1] =	stream.indirect.gather [hbm4b:s3+s11], $0x40, s23, s11, $0xb8;
	[tilespmem:$0x15900] =	vst v63  }
.LBB2_2:
0x5d: {  	_ =	swait.ge [sflag:s20], $0x2000  }
0x5e: {  	[sflag:s20] =	ssyncset.done $0x0  }
0x5f: {  	[sflag:s20] =	ssyncadd.s32 $0xFFFFE000  }
0x60: {  	_ =	swait.ge [sflag:s20], $0x2000  }
0x61: {  	[sflag:s20] =	ssyncset.done $0x0  }
0x62: {  	[sflag:s20] =	ssyncadd.s32 $0xFFFFE000  }
0x63: {  	_ =	swait.ge [sflag:s20], $0x2000  }
0x64: {  	[sflag:s20] =	ssyncset.done $0x0  }
0x65: {  	[sflag:s20] =	ssyncadd.s32 $0xFFFFE000  }
0x66: {  	_ =	swait.ge [sflag:s20], $0x2000  }
0x67: {  	[sflag:s20] =	ssyncset.done $0x0  }
0x68: {  	[sflag:s20] =	ssyncadd.s32 $0xFFFFE000  }
0x69: {  	_ =	swait.ge [sflag:s20], $0x2000  }
0x6a: {  	[sflag:s20] =	ssyncset.done $0x0  }
0x6b: {  	[sflag:s20] =	ssyncadd.s32 $0xFFFFE000  }
0x6c: {  	[hbm4b:s9+s2] =	stream.linear.scatter [tilespmem:s12], [sflag:$0x3], $0xA000, $0x38;
	[tilespmem:$0x15900] =	vst v63  }
0x6d: {  	_ =	swait.ge [sflag:s25], $0xA000  }
0x6e: {  	s18 =	sshra.s32 s16, $0x2;
	[sflag:s25] =	ssyncset.done $0x0  }
0x6f: {  	s21 =	sadd.s32 $0x780, s18;
	[sflag:s25] =	ssyncadd.s32 $0xFFFF6000  }
0x70: {  	[tilespmem:s22], [sflag:$0x2] =	stream.indirect.gather [hbm4b:s3+s11], $0x40, s21, s11, $0xb8;
	[tilespmem:$0x15900] =	vst v63  }
0x71: {  	s21 =	sadd.s32 $0x800, s18  }
0x72: {  	[tilespmem:s24], [sflag:$0x2] =	stream.indirect.gather [hbm4b:s3+s11], $0x40, s21, s11, $0xb8;
	[tilespmem:$0x15900] =	vst v63  }
0x73: {  	s21 =	sadd.s32 $0x880, s18  }
0x74: {  	[tilespmem:s26], [sflag:$0x2] =	stream.indirect.gather [hbm4b:s3+s11], $0x40, s21, s11, $0xb8;
	[tilespmem:$0x15900] =	vst v63  }
0x75: {  	s21 =	sadd.s32 $0x900, s18  }
0x76: {  	[tilespmem:s29], [sflag:$0x2] =	stream.indirect.gather [hbm4b:s3+s11], $0x40, s21, s11, $0xb8;
	[tilespmem:$0x15900] =	vst v63  }
0x77: {  	s21 =	sadd.s32 $0x980, s18  }
0x78: {  	[tilespmem:s31], [sflag:$0x2] =	stream.indirect.gather [hbm4b:s3+s11], $0x40, s21, s11, $0xb8;
	[tilespmem:$0x15900] =	vst v63  }
0x79: {  	_ =	swait.ge [sflag:s1], $0x2000  }
0x7a: {  	[sflag:s1] =	ssyncset.done $0x0  }
0x7b: {  	[sflag:s1] =	ssyncadd.s32 $0xFFFFE000  }
0x7c: {  	_ =	swait.ge [sflag:s1], $0x2000  }
0x7d: {  	[sflag:s1] =	ssyncset.done $0x0  }
0x7e: {  	[sflag:s1] =	ssyncadd.s32 $0xFFFFE000  }
0x7f: {  	_ =	swait.ge [sflag:s1], $0x2000  }
0x80: {  	[sflag:s1] =	ssyncset.done $0x0  }
0x81: {  	[sflag:s1] =	ssyncadd.s32 $0xFFFFE000  }
0x82: {  	_ =	swait.ge [sflag:s1], $0x2000  }
0x83: {  	[sflag:s1] =	ssyncset.done $0x0  }
0x84: {  	[sflag:s1] =	ssyncadd.s32 $0xFFFFE000  }
0x85: {  	_ =	swait.ge [sflag:s1], $0x2000  }
0x86: {  	p0 =	seq.s32 s16, $0x3C00;
	[sflag:s1] =	ssyncset.done $0x0  }
.Ltmp2:
0x87: {  	[sflag:s1] =	ssyncadd.s32 $0xFFFFE000;
	(pc) =	sbr.rel @p0 .LBB2_4-.Ltmp2, $4  }
0x88: {  	[hbm4b:s8+s2] =	stream.linear.scatter [tilespmem:s22], [sflag:$0x4], $0xA000, $0x38;
	[tilespmem:$0x15900] =	vst v63  }
0x89: {  	_ =	swait.ge [sflag:s0], $0xA000  }
0x8a: {  	[sflag:s0] =	ssyncset.done $0x0  }
0x8b: {  	[sflag:s0] =	ssyncadd.s32 $0xFFFF6000  }
0x8c: {  	s21 =	sadd.s32 $0xA00, s18  }
0x8d: {  	[tilespmem:s12], [sflag:$0x1] =	stream.indirect.gather [hbm4b:s3+s11], $0x40, s21, s11, $0xb8;
	[tilespmem:$0x15900] =	vst v63  }
0x8e: {  	s21 =	sadd.s32 $0xA80, s18  }
0x8f: {  	[tilespmem:s13], [sflag:$0x1] =	stream.indirect.gather [hbm4b:s3+s11], $0x40, s21, s11, $0xb8;
	[tilespmem:$0x15900] =	vst v63  }
0x90: {  	s21 =	sadd.s32 $0xB00, s18  }
0x91: {  	[tilespmem:s15], [sflag:$0x1] =	stream.indirect.gather [hbm4b:s3+s11], $0x40, s21, s11, $0xb8;
	[tilespmem:$0x15900] =	vst v63  }
.Ltmp3:
0x92: {  	_ = 	snop;
	(pc) =	sbr.rel .LBB2_2-.Ltmp3, $4  }
0x93: {  	s16 =	sadd.s32 $0x1400, s16;
	s21 =	sadd.s32 $0xB80, s18  }
0x94: {  	[tilespmem:s17], [sflag:$0x1] =	stream.indirect.gather [hbm4b:s3+s11], $0x40, s21, s11, $0xb8;
	[tilespmem:$0x15900] =	vst v63  }
0x95: {  	s8 =	sadd.s32 $0x2800, s8;
	s9 =	sadd.s32 $0x2800, s9;
	s21 =	sadd.s32 $0xC00, s18  }
0x96: {  	[tilespmem:s19], [sflag:$0x1] =	stream.indirect.gather [hbm4b:s3+s11], $0x40, s21, s11, $0xb8;
	[tilespmem:$0x15900] =	vst v63  }
.LBB2_5:
0x97: {  	_ =	sfence.sel $0x180000  }
0x98: {  	[bflag:$0x0] =	sbarrier.arrive $0xFFFF  }
0x99: {  	_ =	strace $0x90000047  }
0x9a: {  	s0 =	stileid.u32;
	[bflag:$0x2] =	sbarrier.arrive $0xFFFF  }
0x9b: {  	p0 =	sne.s32 s0, $0x0;
	s0 =	rddreg [dreg:$0x2]  }
0x9c: {  	s0 =	sadd.s32 @!p0 $0x100000, s0  }
0x9d: {  	[sflag:s0] =	ssyncadd.tile.s32 @!p0 $0x1;
	_ =	shalt  }
.Lfunc_end2:
_tile_overlayer_lowered:
.L_overlay_start_2:
0x9e: {  	(tag) =	ssettag $0x2  }
0x9f: {  	s0 =	rddreg [dreg:$0x0];
	s2 =	stileid.u32  }
0xa0: {  	s1 =	rddreg [dreg:$0x1];
	p0 =	sne.s32 s2, $0x0  }
0xa1: {  	s3 =	rddreg [dreg:$0x2];
	[bflag:$0x3] =	sbarrier.arrive $0xFFFF;
	s2 =	simm.s32 @!p0 $0x1C05  }
0xa2: {  	[timem:s3], [sflag:s2] =	dma.local @!p0 [hbm:s0], s1  }
0xa3: {  	s0 =	simm.s32 @!p0 $0x5  }
0xa4: {  	_ =	swait.ge @!p0 [sflag:s0], s1  }
0xa5: {  	s1 =	ssub.s32 @!p0 $0x0, s1;
	[sflag:s0] =	ssyncset.done @!p0 $0x0  }
0xa6: {  	[sflag:s0] =	ssyncadd.s32 @!p0 s1  }
0xa7: {  	[bflag:$0x3] =	sbarrier.arrive $0xFFFF  }
0xa8: {  	_ =	shalt  }

// kernel: sparse-core-data-format-call.cloned.1.call-start
scs
called_computation_lowered:
.L_overlay_start_0:
0x0: {  	s2 =	sld [smem:$0x3FD9]  }
0x1: {  	s3 =	sld [smem:$0x3FFE];
	_ =	sdelay $0x1  }
0x2: {  	s1 =	srdreg.scid  }
0x3: {  	s0 =	sand.u32 $0x1, s1  }
0x4: {  	s18 =	sshll.u32 s0, $0xA;
	s2 =	sadd.s32 s3, s2  }
0x5: {  	s2 =	sadd.s32 s2, s18  }
0x6: {  	[smem:$0x3FC6] =	sst s2  }
0x7: {  	_ = 	snop  }
0x8: {  	s2 =	sld [smem:$0x3FD0];
	(tm) =	ssettm $0x1  }
0x9: {  	s19 =	sld [smem:$0x3FFB];
	_ =	sdelay $0x3  }
0xa: {  	_ =	strace s19  }
0xb: {  	s3 =	sld [smem:$0x3FFC];
	_ =	sdelay $0x3  }
0xc: {  	_ =	strace s3  }
0xd: {  	s3 =	sld [smem:$0x3FFD];
	_ =	sdelay $0x3  }
0xe: {  	_ =	strace s3  }
0xf: {  	_ =	strace $0x8FFFFFFF  }
0x10: {  	s20 =	sld [smem:$0x3FDB];
	_ =	sdelay $0x1  }
0x11: {  	s4 =	simm.s32 $_scs_section_size  }
0x12: {  	s5 =	simm.s32 $_size__tile_overlayer_lowered;
	s6 =	simm.s32 $_tile_overlayer_lowered  }
0x13: {  	s23 =	simm.s32 $0x1BFF;
	s22 =	sshll.u32 s6, $0x1;
	s3 =	sadd.s32 s4, s20  }
0x14: {  	s7 =	simm.s32 $0x0;
	s21 =	sshll.u32 s5, $0x1;
	s5 =	sadd.s32 s22, s3  }
0x15: {  	[timem:s7], [sflag:s23] =	dma.local [hbm:s5], s21  }
0x16: {  	_ =	swait.ge [sflag:s23], s21  }
0x17: {  	s4 =	ssub.s32 $0x0, s21;
	[sflag:s23] =	ssyncset.done $0x0  }
0x18: {  	[sflag:s23] =	ssyncadd.s32 s4;
	_ =	sdelay $0x1  }
0x19: {  	s24 =	simm.s32 $0x1B8B  }
0x1a: {  	_ =	swait.ge [sflag:s24], $0x1  }
0x1b: {  	[sflag:s24] =	ssyncset.done $0x0  }
0x1c: {  	s26 =	simm.s32 $0x1B8E;
	s25 =	sld [smem:$0x3FFE];
	[sflag:s24] =	ssyncadd.s32 $0xFFFFFFFF  }
0x1d: {  	s27 =	simm.s32 $execute0_lowered;
	[smem:$0x3FD2] =	sst s26  }
0x1e: {  	s5 =	sshll.u32 s27, $0x1;
	_ =	strace $0x80000049;
	[dreg:$0x1] =	wrdreg $0xFFFFFFFF  }
0x1f: {  	s28 =	simm.s32 $_size_execute0_lowered;
	s3 =	sadd.s32 s3, s5;
	[dreg:$0x0] =	wrdreg $0x0  }
0x20: {  	s5 =	sshll.u32 s28, $0x1;
	[dreg:$0x2] =	wrdreg s3  }
0x21: {  	[dreg:$0x3] =	wrdreg s5  }
0x22: {  	[dreg:$0x4] =	wrdreg $0xC0  }
0x23: {  	_ =	task [dreg:s7], $0x5FFFF  }
0x24: {  	[dreg:$0x1] =	wrdreg $0xFFFFFFFF  }
0x25: {  	[dreg:$0x0] =	wrdreg $0x60  }
0x26: {  	[dreg:$0x2] =	wrdreg s25  }
0x27: {  	[dreg:$0x3] =	wrdreg s2  }
0x28: {  	[dreg:$0x4] =	wrdreg $0x9  }
0x29: {  	_ =	task.clear_ibuf [dreg:s7], $0x5FFFF;
	_ =	strace $0x90000049  }
0x2a: {  	s29 =	simm.s32 $0x9;
	_ =	strace $0x8000004B  }
0x2b: {  	_ =	swait.ge [sflag:s29], $0x1  }
0x2c: {  	[sflag:s29] =	ssyncadd.s32 $0xFFFFFFFF  }
0x2d: {  	_ =	strace $0x9000004B  }
0x2e: {  	_ =	sfence  }
0x2f: {  	s30 =	sld [smem:$0x0];
	_ =	sdelay $0x2  }
0x30: {  	s31 =	sshll.u32 s1, $0xD;
	s1 =	sshrl.u32 s1, $0x2  }
0x31: {  	s3 =	sand.u32 $0x4000, s31;
	s1 =	sadd.s32 s1, s30  }
0x32: {  	s0 =	sor.u32 s3, s0;
	s1 =	sshll.u32 s1, $0x11  }
0x33: {  	s0 =	sor.u32 s1, s0  }
0x34: {  	s0 =	sadd.s32 $0x8F2B, s0  }
0x35: {  	[sflag:s0] =	ssyncadd.remote.s32 $0x1  }
0x36: {  	_ =	sfence.sel $0xFFFF  }
0x37: {  	[dreg:$0x0] =	wrdreg $0xFFFFFFFF;
	(pc) =	sbr.abs _section_cstart, $3  }
0x38: {  	[dreg:$0x1] =	wrdreg $0xFFFFFFFF  }
0x39: {  	_ =	task.clear_ibuf [dreg:s7], $0x2FFFF;
	_ =	strace $0x9FFFFFFF  }
0x3a: {  	(tm) =	ssettm $0x7FFFFFFF  }
0x3b: {  	_ =	shalt  }
tec
execute0_lowered:
.L_overlay_start_1:
0x0: {  	(tag) =	ssettag $0x1  }
0x1: {  	s0 =	srdreg.scid  }
0x2: {  	s1 =	sshll.u32 s0, $0x4  }
0x3: {  	s4 =	rddreg [dreg:$0x0];
	s0 =	stileid.u32;
	s1 =	sand.u32 $0x10, s1  }
0x4: {  	s2 =	rddreg [dreg:$0x1];
	s7 =	simm.s32 $0x1;
	s1 =	sor.u32 s0, s1  }
0x5: {  	s8 =	simm.s32 $0x2;
	s11 =	simm.s32 $0x0;
	s3 =	sshll.u32 s1, $0x7  }
0x6: {  	s10 =	simm.s32 $0x0;
	s4 =	sadd.s32 $0xA00, s4;
	s6 =	ssub.s32 $0x32000, s3  }
.Ltmp0:
0x7: {  	s1 =	rddreg [dreg:$0x2];
	s5 =	sand.u32 $0xF80, s6;
	(pc) =	sbr.rel .LBB1_1-.Ltmp0, $4  }
0x8: {  	_ =	strace $0x8000004A;
	s9 =	smov.u32 s3;
	p0 =	sne.s32 s5, $0x0  }
0x9: {  	s6 =	sshrl.u32 s6, $0xC;
	s5 =	simm.s32 $0x1;
	s7 =	simm.s32 @!p0 $0x0  }
0xa: {  	[sflag:s5] =	ssyncpa.u1 $0x0;
	p0 =	por $0x0, $0x0;
	s6 =	sadd.s32 s7, s6  }
0xb: {  	[sflag:s8] =	ssyncpa.u1 $0x0;
	s8 =	simm.s32 $0x190000;
	s7 =	sadd.s32 $0x1, s6  }
.LBB1_4:
0xc: {  	s14 =	sshll.u32 s11, $0x3  }
0xd: {  	s30 =	sand.u32 $0x7F, s11;
	s15 =	sand.u32 $0xFFFFFC00, s14  }
0xe: {  	s11 =	sor.u32 s30, s15  }
0xf: {  	s15 =	smulhi.u32 $0x51EB851F, s11  }
0x10: {  	s14 =	smulhi.u32 $0x51EB851F, s14  }
0x11: {  	s15 =	sshrl.u32 s15, $0x10  }
0x12: {  	s14 =	sshrl.u32 s14, $0x10;
	s15 =	smul.u32 $0x32000, s15  }
0x13: {  	s14 =	sand.u32 $0x3F, s14  }
0x14: {  	s14 =	smul.u32 $0x6400, s14;
	s11 =	ssub.s32 s11, s15  }
0x15: {  	[tilespmem:s13+$0x810 ss:$0x81] =	vst.msk $0xffff, v2;
	s15 =	sand.u32 $0x7, s11  }
0x16: {  	[tilespmem:s13+$0x1020 ss:$0x81] =	vst.msk $0xffff, v0;
	s14 =	sadd.s32 s2, s14;
	s11 =	sshrl.u32 s11, $0x3;
	s15 =	sshll.u32 s15, $0x12  }
0x17: {  	[tilespmem:s13+$0x0 ss:$0x81] =	vst.msk $0xffff, v1;
	s11 =	sadd.s32 s11, s14;
	s31 =	sor.u32 $0x400, s15  }
0x18: {  	[hbm4b:s11+s31] =	stream.strided.scatter [tilespmem:s12], [sflag:$0x2], $0x2000, s8, s31, $0x20;
	[tilespmem:$0x8080] =	vst v63  }
.LBB1_5:
0x19: {  	s13 =	sadd.s32 $0x1000, s9  }
0x1a: {  	p2 =	sgt.s32 s13, $0x31FFF  }
0x1b: {  	s13 =	smov.u32 @p2 s3;
	p2 =	sne.s32 s10, s7  }
.Ltmp1:
0x1c: {  	p1 =	slt.u32 s10, $0x2;
	(pc) =	sbr.rel @!p2 .LBB1_6-.Ltmp1, $4  }
0x1d: {  	s12 =	simm.s32 @!p1 $0x2  }
0x1e: {  	s14 =	sadd.s32 $0x1, s10;
	_ =	swait.ge @!p1 [sflag:s12], $0x2000  }
0x1f: {  	s11 =	smov.u32 s9;
	p0 =	por !p0, !p0;
	[sflag:s12] =	ssyncset.done @!p1 $0x0  }
0x20: {  	s10 =	smov.u32 s14;
	s9 =	smov.u32 s13;
	[sflag:s12] =	ssyncadd.s32 @!p1 $0xFFFFE000  }
.LBB1_1:
0x21: {  	p1 =	sge.u32 s10, s6  }
0x22: {  	s12 =	sand.u32 @!p1 $0x1FFFFFF, s9  }
0x23: {  	s13 =	smulhi.u32 @!p1 $0x147AE15, s12;
	_ =	sdelay $0x1  }
0x24: {  	s13 =	sshrl.u32 @!p1 s13, $0xA  }
0x25: {  	s13 =	smul.u32 @!p1 $0x32000, s13;
	_ =	sdelay $0x1  }
0x26: {  	s31 =	sadd.s32 $0xFFFFFFFF, s10;
	s14 =	sxor.u32 @!p1 $0xFFFFFFFF, s10;
	s12 =	ssub.s32 @!p1 s12, s13  }
0x27: {  	s15 =	simm.s32 @!p1 $0x80;
	s14 =	sshll.u32 @!p1 s14, $0xD;
	s12 =	sshll.u32 @!p1 s12, $0x4  }
0x28: {  	s13 =	sand.u32 @!p1 $0x2000, s14;
	s14 =	simm.s32 @!p1 $0x40;
	s12 =	sadd.s32 @!p1 s4, s12  }
0x29: {  	[tilespmem:s13], [sflag:$0x1] =	stream.strided.gather @!p1 [hbm4b:s12+s14], $0x2000, s15, s14, $0x38;
	[tilespmem:$0x8080] =	vst v63  }
0x2a: {  	p1 =	sge.u32 s31, s6  }
.Ltmp2:
0x2b: {  	_ = 	snop;
	(pc) =	sbr.rel @p1 .LBB1_5-.Ltmp2, $1  }
0x2c: {  	_ =	sdelay $0x3  }
0x2d: {  	s12 =	simm.s32 $0x1  }
0x2e: {  	_ =	swait.ge [sflag:s5], $0x2000;
	s12 =	simm.s32 @!p0 $0x0  }
0x2f: {  	[sflag:s5] =	ssyncset.done $0x0;
	s13 =	sshll.u32 s12, $0xD  }
0x30: {  	[sflag:s5] =	ssyncadd.s32 $0xFFFFE000;
	s16 =	sor.u32 $0x20, s13  }
0x31: {  	s12 =	smul.u32 $0x8100, s12;
	v3 =	vld [tilespmem:s16+$0x10]  }
0x32: {  	s30 =	sand.u32 $0x1, s10;
	v2 =	vld [tilespmem:s16+$0xFFFFFFF0]  }
0x33: {  	s13 =	smul.u32 $0x8100, s30;
	s12 =	sshrl.u32 s12, $0x2;
	v0 =	vld [tilespmem:s16+$0x0]  }
0x34: {  	v1 =	vld [tilespmem:s16+$0xFFFFFFE0];
	s14 =	sor.u32 $0x4000, s12  }
0x35: {  	s31 =	sshrl.u32 s13, $0x2;
	s13 =	sadd.s32 $0x0, s14  }
0x36: {  	s15 =	simm.s32 $0x4;
	s16 =	sadd.s32 $0x40, s16;
	s12 =	sor.u32 $0x4000, s31;
	[tilespmem:s13+$0x1830 ss:$0x81] =	vst.msk $0xffff, v3  }
.LBB1_3:
0x37: {  	v3 =	vld [tilespmem:s16+$0x10];
	p1 =	sne.s32 s15, $0x1FC;
	[tilespmem:s13+$0x810 ss:$0x81] =	vst.msk $0xffff, v2;
	s17 =	smov.u32 s15;
	s15 =	sadd.s32 $0x4, s15  }
.Ltmp3:
0x38: {  	v2 =	vld [tilespmem:s16+$0xFFFFFFF0];
	[tilespmem:s13+$0x1020 ss:$0x81] =	vst.msk $0xffff, v0;
	(pc) =	sbr.rel @p1 .LBB1_3-.Ltmp3, $4  }
0x39: {  	v0 =	vld [tilespmem:s16+$0x0];
	[tilespmem:s13+$0x0 ss:$0x81] =	vst.msk $0xffff, v1  }
0x3a: {  	s13 =	sshra.s32 s17, $0x2;
	v1 =	vld [tilespmem:s16+$0xFFFFFFE0]  }
0x3b: {  	s13 =	sadd.s32 s13, s14  }
0x3c: {  	s16 =	sadd.s32 $0x40, s16;
	[tilespmem:s13+$0x1830 ss:$0x81] =	vst.msk $0xffff, v3  }
.Ltmp4:
0x3d: {  	_ = 	snop;
	(pc) =	sbr.rel .LBB1_4-.Ltmp4, $1  }
0x3e: {  	_ =	sdelay $0x3  }
.LBB1_6:
0x3f: {  	_ =	sfence.sel $0x180000  }
0x40: {  	s2 =	simm.s32 $0x1;
	[bflag:$0x0] =	sbarrier.arrive $0xFFFF  }
0x41: {  	s31 =	simm.s32 $0x2;
	[sflag:s2] =	ssyncpa.u1 $0x1  }
0x42: {  	[sflag:s31] =	ssyncpa.u1 $0x1  }
0x43: {  	p0 =	sne.s32 s0, $0x0;
	_ =	strace $0x9000004A  }
0x44: {  	s0 =	sadd.s32 @!p0 $0x100000, s1;
	[bflag:$0x2] =	sbarrier.arrive $0xFFFF  }
0x45: {  	[sflag:s0] =	ssyncadd.tile.s32 @!p0 $0x1;
	_ =	shalt  }
.Lfunc_end1:
_tile_overlayer_lowered:
.L_overlay_start_2:
0x46: {  	(tag) =	ssettag $0x2  }
0x47: {  	s0 =	rddreg [dreg:$0x0];
	s2 =	stileid.u32  }
0x48: {  	s1 =	rddreg [dreg:$0x1];
	p0 =	sne.s32 s2, $0x0  }
0x49: {  	s3 =	rddreg [dreg:$0x2];
	[bflag:$0x3] =	sbarrier.arrive $0xFFFF;
	s2 =	simm.s32 @!p0 $0x1C01  }
0x4a: {  	[timem:s3], [sflag:s2] =	dma.local @!p0 [hbm:s0], s1  }
0x4b: {  	s0 =	simm.s32 @!p0 $0x1  }
0x4c: {  	_ =	swait.ge @!p0 [sflag:s0], s1  }
0x4d: {  	s1 =	ssub.s32 @!p0 $0x0, s1;
	[sflag:s0] =	ssyncset.done @!p0 $0x0  }
0x4e: {  	[sflag:s0] =	ssyncadd.s32 @!p0 s1  }
0x4f: {  	[bflag:$0x3] =	sbarrier.arrive $0xFFFF  }
0x50: {  	_ =	shalt  }

</sc_bundles>
